<compile_context>
chip_gen: v7x
topology: tpu7x:2x2x1
jax: 0.10.2.dev20260603
libtpu: 0.0.44.dev20260713+nightly
codegen_flags: <defaults>
</compile_context>

<pallas_src>
import functools

import numpy as np

import jax
import jax.numpy as jnp
from jax import lax
from jax.experimental import pallas as pl
from jax.experimental.pallas import tpu as pltpu
from jax.experimental.pallas import tpu_sc as plsc

N_NODES = 10000
C = 128
N_PAD = 10240
NC = 2
NS = 16
NT = NC * NS
CHUNK = 128
CPT = 80
E_PAD = NT * CPT * CHUNK
RPS = N_PAD // NS
BR = 512

_mesh = plsc.VectorSubcoreMesh(
    core_axis_name="c", subcore_axis_name="s", num_cores=NC, num_subcores=NS)


@functools.partial(
    pl.kernel,
    out_type=jax.ShapeDtypeStruct((NC, N_PAD), jnp.float32),
    mesh=_mesh,
    scratch_types=[
        pltpu.VMEM((CPT, CHUNK), jnp.int32),
        pltpu.VMEM((CHUNK,), jnp.float32),
        pltpu.VMEM_SHARED((N_PAD,), jnp.float32),
    ],
)
def _deg_kernel(dst_hbm, ones_hbm, zeros_hbm, deg_out, idx_v, ones_v, deg_sh):
    cid = lax.axis_index("c")
    sid = lax.axis_index("s")
    wid = sid * NC + cid
    pltpu.sync_copy(zeros_hbm, deg_sh.at[pl.ds(sid * RPS, RPS)])
    pltpu.sync_copy(ones_hbm, ones_v)
    pltpu.sync_copy(dst_hbm.at[wid], idx_v)
    plsc.subcore_barrier()

    @pl.loop(0, CPT)
    def _(j):
        pltpu.sync_copy(ones_v, deg_sh.at[idx_v.at[j]], add=True)

    plsc.subcore_barrier()
    pltpu.sync_copy(deg_sh.at[pl.ds(sid * RPS, RPS)],
                    deg_out.at[cid, pl.ds(sid * RPS, RPS)])


NBUF = 2
HCPT = CPT // 2


@functools.partial(
    pl.kernel,
    out_type=jax.ShapeDtypeStruct((NC, N_PAD, C), jnp.float32),
    mesh=_mesh,
    scratch_types=(
        [pltpu.VMEM((HCPT, CHUNK), jnp.int32)] * 2 +
        [pltpu.VMEM((CHUNK, C), jnp.float32)] * NBUF +
        [pltpu.VMEM_SHARED((N_PAD, C), jnp.float32)] +
        [pltpu.SemaphoreType.DMA] * (2 * NBUF + 1)
    ),
)
def _agg_kernel(g_hbm, src_hbm, dstr_hbm, zeros_hbm, acc_out,
                idxs_v, idxd_v, b0, b1, acc_sh, *sems):
    bufs = (b0, b1)
    gsems = sems[:NBUF]
    ssems = sems[NBUF:2 * NBUF]
    misc = sems[2 * NBUF]
    cid = lax.axis_index("c")
    sid = lax.axis_index("s")
    wid = sid * NC + cid

    c_z = pltpu.async_copy(zeros_hbm, b0, misc)
    c_z.wait()
    for r in range(RPS // CHUNK):
        pltpu.async_copy(b0, acc_sh.at[pl.ds(sid * RPS + r * CHUNK, CHUNK)],
                         misc)
    for r in range(RPS // CHUNK):
        pltpu.make_async_copy(b0, acc_sh.at[pl.ds(0, CHUNK)], misc).wait()
    plsc.subcore_barrier()

    def g_copy(j, bi):
        return g_hbm.at[idxs_v.at[j]], bufs[bi], gsems[bi]

    def s_copy(j, bi):
        return bufs[bi], acc_sh.at[idxd_v.at[j]], ssems[bi]

    for half in range(2):
        base = half * HCPT
        c_src = pltpu.async_copy(src_hbm.at[wid, pl.ds(base, HCPT)],
                                 idxs_v, gsems[0])
        c_dst = pltpu.async_copy(dstr_hbm.at[wid, pl.ds(base, HCPT)],
                                 idxd_v, gsems[1])
        c_src.wait()
        c_dst.wait()
        for bi in range(NBUF):
            pltpu.async_copy(*g_copy(bi, bi))

        @pl.loop(0, HCPT - NBUF, step=NBUF)
        def _(j0):
            for bi in range(NBUF):
                j = j0 + bi
                pltpu.make_async_copy(*g_copy(j, bi)).wait()
                pltpu.async_copy(*s_copy(j, bi), add=True)
                pltpu.make_async_copy(*s_copy(j, bi)).wait()
                pltpu.async_copy(*g_copy(j + NBUF, bi))

        for bi in range(NBUF):
            j = HCPT - NBUF + bi
            pltpu.make_async_copy(*g_copy(j, bi)).wait()
            pltpu.async_copy(*s_copy(j, bi), add=True)
        for bi in range(NBUF):
            pltpu.make_async_copy(*s_copy(HCPT - NBUF + bi, bi)).wait()

    plsc.subcore_barrier()
    for r in range(RPS // CHUNK):
        row = sid * RPS + r * CHUNK
        pltpu.async_copy(acc_sh.at[pl.ds(row, CHUNK)],
                         acc_out.at[cid, pl.ds(row, CHUNK)], misc)
    for r in range(RPS // CHUNK):
        row = sid * RPS + r * CHUNK
        pltpu.make_async_copy(acc_sh.at[pl.ds(row, CHUNK)],
                              acc_out.at[cid, pl.ds(row, CHUNK)], misc).wait()


def _mm_body(x_ref, w_ref, d_ref, o_ref):
    deg = d_ref[:, 0:1] + d_ref[:, 1:2] + 1.0
    o_ref[...] = lax.rsqrt(deg) * jnp.dot(x_ref[...], w_ref[...],
                                          preferred_element_type=jnp.float32)


def _matmul_scale(x_p, W, deg_t):
    return pl.pallas_call(
        _mm_body,
        grid=(N_PAD // BR,),
        in_specs=[
            pl.BlockSpec((BR, C), lambda i: (i, 0)),
            pl.BlockSpec((C, C), lambda i: (0, 0)),
            pl.BlockSpec((BR, NC), lambda i: (i, 0)),
        ],
        out_specs=pl.BlockSpec((BR, C), lambda i: (i, 0)),
        out_shape=jax.ShapeDtypeStruct((N_PAD, C), jnp.float32),
    )(x_p, W, deg_t)


def _ep_body(a_ref, g_ref, d_ref, b_ref, o_ref):
    deg = d_ref[:, 0:1] + d_ref[:, 1:2] + 1.0
    acc = a_ref[0] + a_ref[1] + g_ref[...]
    o_ref[...] = lax.rsqrt(deg) * acc + b_ref[...]


BRE = 400


def _epilogue(acc_parts, g, deg_t, b2d):
    return pl.pallas_call(
        _ep_body,
        grid=(N_NODES // BRE,),
        in_specs=[
            pl.BlockSpec((NC, BRE, C), lambda i: (0, i, 0)),
            pl.BlockSpec((BRE, C), lambda i: (i, 0)),
            pl.BlockSpec((BRE, NC), lambda i: (i, 0)),
            pl.BlockSpec((1, C), lambda i: (0, 0)),
        ],
        out_specs=pl.BlockSpec((BRE, C), lambda i: (i, 0)),
        out_shape=jax.ShapeDtypeStruct((N_NODES, C), jnp.float32),
    )(acc_parts, g, deg_t, b2d)


def kernel(x, adj_t, W, b):
    src = adj_t[0].astype(jnp.int32)
    dst = adj_t[1].astype(jnp.int32)
    n_edges = src.shape[0]
    pad = E_PAD - n_edges
    junk = jnp.asarray(
        N_NODES + np.arange(pad, dtype=np.int32) % (N_PAD - N_NODES))
    src_p = jnp.concatenate([src, junk])
    dst_p = jnp.concatenate([dst, junk])
    src_r = src_p.reshape(NT, CPT, CHUNK)
    dst_r = dst_p.reshape(NT, CPT, CHUNK)
    x_p = jnp.pad(x, ((0, N_PAD - x.shape[0]), (0, 0)))

    ones_c = jnp.ones((CHUNK,), jnp.float32)
    zeros_r = jnp.zeros((RPS,), jnp.float32)
    zeros_c = jnp.zeros((CHUNK, C), jnp.float32)

    deg_parts = _deg_kernel(dst_r, ones_c, zeros_r)
    deg_t = deg_parts.T
    g = _matmul_scale(x_p, W, deg_t)
    acc_parts = _agg_kernel(g, src_r, dst_r, zeros_c)
    return _epilogue(acc_parts, g, deg_t, b.reshape(1, C))

# --- scband reference (transcript-rebuilt; emitter-appended) ---
"""Pipeline reference for scband-named-gcnconv-88656714924621 (READ-ONLY COPY).

The authoritative reference and input builder live on the scoring server;
editing this copy changes nothing except your own understanding.
"""

import jax, jax.numpy as jnp
import numpy as np

N_NODES = 10000
N_EDGES = 320000
IN_CH = 128
OUT_CH = 128


def setup_inputs(seed: int = 0) -> dict:
    key = jax.random.key(seed)
    k1, k2, k3, k4 = jax.random.split(key, 4)
    x = jax.random.normal(k1, (N_NODES, IN_CH), dtype=jnp.float32)
    adj_t = jax.random.randint(k2, (2, N_EDGES), 0, N_NODES, dtype=jnp.int64)
    # Glorot-style init for the GCN weight, zeros for bias (matches PyG GCNConv defaults)
    limit = float(np.sqrt(6.0 / (IN_CH + OUT_CH)))
    W = jax.random.uniform(k3, (IN_CH, OUT_CH), dtype=jnp.float32, minval=-limit, maxval=limit)
    b = jnp.zeros((OUT_CH,), dtype=jnp.float32)
    return {"x": x, "adj_t": adj_t, "W": W, "b": b}


def reference(x, adj_t, W, b):
    # Faithful GCNConv (improved=False, add_self_loops=True, normalize=True, bias=True)
    N = x.shape[0]
    src = adj_t[0]
    dst = adj_t[1]
    # add self loops (fill_value = 1.0 since improved=False)
    loop = jnp.arange(N, dtype=src.dtype)
    src = jnp.concatenate([src, loop], axis=0)
    dst = jnp.concatenate([dst, loop], axis=0)
    edge_weight = jnp.ones((src.shape[0],), dtype=x.dtype)
    # symmetric normalization: deg computed by scatter-add of edge weights at dst (col)
    deg = jnp.zeros((N,), dtype=x.dtype).at[dst].add(edge_weight)
    deg_inv_sqrt = jnp.where(deg > 0, jax.lax.rsqrt(jnp.where(deg > 0, deg, 1.0)), 0.0)
    norm = deg_inv_sqrt[src] * edge_weight * deg_inv_sqrt[dst]
    # linear transform
    h = x @ W
    # message passing: gather from src, scale, scatter-add at dst
    msg = norm[:, None] * jnp.take(h, src, axis=0)
    out = jnp.zeros((N, W.shape[1]), dtype=x.dtype).at[dst].add(msg)
    out = out + b
    return out

if __name__ == "__main__":
    import jax
    _d = setup_inputs()
    print(jax.jit(kernel)(*tuple(_d.values())))

</pallas_src>

<mosaic_0001>
#map = affine_map<(d0, d1) -> (0, 0, 0)>
#map1 = affine_map<(d0, d1) -> (0)>
#map2 = affine_map<(d0, d1) -> (0, 0)>
module attributes {stable_mosaic.version = 14 : i64} {
  func.func @_deg_kernel(%arg0: i32, %arg1: i32, %arg2: memref<32x80x128xi32, #tpu.memory_space<hbm>>, %arg3: memref<128xf32, #tpu.memory_space<hbm>>, %arg4: memref<640xf32, #tpu.memory_space<hbm>>, %arg5: memref<2x10240xf32, #tpu.memory_space<hbm>>, %arg6: memref<80x128xi32, #tpu.memory_space<vmem>>, %arg7: memref<128xf32, #tpu.memory_space<vmem>>, %arg8: memref<10240xf32, #tpu.memory_space<vmem_shared>>) attributes {dimension_semantics = [#tpu.dimension_semantics<core_parallel>, #tpu.dimension_semantics<subcore_parallel>], iteration_bounds = array<i64: 2, 16>, scalar_prefetch = 0 : i64, scratch_operands = 3 : i64, tpu.core_type = #tpu.core_type<sc_vector_subcore>, window_params = [{transform_indices = #map}, {transform_indices = #map1}, {transform_indices = #map1}, {transform_indices = #map2}]} {
    %mul3A = arith.constant 2 : i32
    %mul3A_0 = arith.muli %arg1, %mul3A : i32
    %add3A = arith.addi %mul3A_0, %arg0 : i32
    %mul3A_1 = arith.constant 640 : i32
    %mul3A_2 = arith.muli %arg1, %mul3A_1 : i32
    "tpu.region"() ({
      %run_scoped3A = tpu.sem_alloc : memref<!tpu.dma_semaphore, #tpu.memory_space<semaphore_mem>>
      %dma_start3A = tpu.memref_slice %arg8[%mul3A_2] : memref<10240xf32, #tpu.memory_space<vmem_shared>> -> memref<640xf32, #tpu.memory_space<vmem_shared>>
      tpu.enqueue_dma source(%arg4 : memref<640xf32, #tpu.memory_space<hbm>>) target(%dma_start3A : memref<640xf32, #tpu.memory_space<vmem_shared>>) target_semaphore(%run_scoped3A : memref<!tpu.dma_semaphore, #tpu.memory_space<semaphore_mem>>)
      %dma_wait3A = tpu.memref_slice %arg8[%mul3A_2] : memref<10240xf32, #tpu.memory_space<vmem_shared>> -> memref<640xf32, #tpu.memory_space<vmem_shared>>
      tpu.wait_dma2 semaphore(%run_scoped3A : memref<!tpu.dma_semaphore, #tpu.memory_space<semaphore_mem>>) src(%arg4 : memref<640xf32, #tpu.memory_space<hbm>>) dst(%dma_wait3A : memref<640xf32, #tpu.memory_space<vmem_shared>>)
      tpu.yield
    }) : () -> ()
    "tpu.region"() ({
      %run_scoped3A = tpu.sem_alloc : memref<!tpu.dma_semaphore, #tpu.memory_space<semaphore_mem>>
      tpu.enqueue_dma source(%arg3 : memref<128xf32, #tpu.memory_space<hbm>>) target(%arg7 : memref<128xf32, #tpu.memory_space<vmem>>) target_semaphore(%run_scoped3A : memref<!tpu.dma_semaphore, #tpu.memory_space<semaphore_mem>>)
      tpu.wait_dma2 semaphore(%run_scoped3A : memref<!tpu.dma_semaphore, #tpu.memory_space<semaphore_mem>>) src(%arg3 : memref<128xf32, #tpu.memory_space<hbm>>) dst(%arg7 : memref<128xf32, #tpu.memory_space<vmem>>)
      tpu.yield
    }) : () -> ()
    "tpu.region"() ({
      %run_scoped3A = tpu.sem_alloc : memref<!tpu.dma_semaphore, #tpu.memory_space<semaphore_mem>>
      %dma_start3A = arith.constant 0 : i32
      %dma_start3A_12 = arith.constant 0 : i32
      %dma_start3A_13 = tpu.memref_slice %arg2[%add3A, %dma_start3A, %dma_start3A_12] : memref<32x80x128xi32, #tpu.memory_space<hbm>> -> memref<1x80x128xi32, #tpu.memory_space<hbm>>
      %dma_start3A_14 = tpu.memref_squeeze %dma_start3A_13 : memref<1x80x128xi32, #tpu.memory_space<hbm>> -> memref<80x128xi32, #tpu.memory_space<hbm>>
      %dma_start3A_15 = arith.constant 0 : i32
      %dma_start3A_16 = arith.constant 0 : i32
      %dma_start3A_17 = tpu.memref_slice %arg2[%add3A, %dma_start3A_15, %dma_start3A_16] : memref<32x80x128xi32, #tpu.memory_space<hbm>> -> memref<1x80x128xi32, #tpu.memory_space<hbm>>
      %dma_start3A_18 = tpu.memref_squeeze %dma_start3A_17 : memref<1x80x128xi32, #tpu.memory_space<hbm>> -> memref<80x128xi32, #tpu.memory_space<hbm>>
      tpu.enqueue_dma source(%dma_start3A_18 : memref<80x128xi32, #tpu.memory_space<hbm>>) target(%arg6 : memref<80x128xi32, #tpu.memory_space<vmem>>) target_semaphore(%run_scoped3A : memref<!tpu.dma_semaphore, #tpu.memory_space<semaphore_mem>>)
      %dma_wait3A = arith.constant 0 : i32
      %dma_wait3A_19 = arith.constant 0 : i32
      %dma_wait3A_20 = tpu.memref_slice %arg2[%add3A, %dma_wait3A, %dma_wait3A_19] : memref<32x80x128xi32, #tpu.memory_space<hbm>> -> memref<1x80x128xi32, #tpu.memory_space<hbm>>
      %dma_wait3A_21 = tpu.memref_squeeze %dma_wait3A_20 : memref<1x80x128xi32, #tpu.memory_space<hbm>> -> memref<80x128xi32, #tpu.memory_space<hbm>>
      %dma_wait3A_22 = arith.constant 0 : i32
      %dma_wait3A_23 = arith.constant 0 : i32
      %dma_wait3A_24 = tpu.memref_slice %arg2[%add3A, %dma_wait3A_22, %dma_wait3A_23] : memref<32x80x128xi32, #tpu.memory_space<hbm>> -> memref<1x80x128xi32, #tpu.memory_space<hbm>>
      %dma_wait3A_25 = tpu.memref_squeeze %dma_wait3A_24 : memref<1x80x128xi32, #tpu.memory_space<hbm>> -> memref<80x128xi32, #tpu.memory_space<hbm>>
      tpu.wait_dma2 semaphore(%run_scoped3A : memref<!tpu.dma_semaphore, #tpu.memory_space<semaphore_mem>>) src(%dma_wait3A_25 : memref<80x128xi32, #tpu.memory_space<hbm>>) dst(%arg6 : memref<80x128xi32, #tpu.memory_space<vmem>>)
      tpu.yield
    }) : () -> ()
    %barrier3A = arith.constant 0 : index
    tpu.barrier barrier_id(%barrier3A)
    %scan3A = arith.constant 0 : i32
    %scan3A_3 = arith.constant 80 : i32
    %scan3A_4 = arith.addi %scan3A, %scan3A_3 : i32
    %scan3A_5 = arith.constant 1 : i32
    scf.for %scan3A_12 = %scan3A to %scan3A_4 step %scan3A_5  : i32 {
      %mul3A_13 = arith.constant 1 : i32
      %mul3A_14 = arith.muli %scan3A_12, %mul3A_13 : i32
      %add3A_15 = arith.constant 0 : i32
      %add3A_16 = arith.addi %add3A_15, %mul3A_14 : i32
      "tpu.region"() ({
        %run_scoped3A = tpu.sem_alloc : memref<!tpu.dma_semaphore, #tpu.memory_space<semaphore_mem>>
        %dma_start3A = arith.constant 0 : i32
        %dma_start3A_17 = tpu.memref_slice %arg6[%add3A_16, %dma_start3A] : memref<80x128xi32, #tpu.memory_space<vmem>> -> memref<1x128xi32, #tpu.memory_space<vmem>>
        %dma_start3A_18 = tpu.memref_squeeze %dma_start3A_17 : memref<1x128xi32, #tpu.memory_space<vmem>> -> memref<128xi32, #tpu.memory_space<vmem>>
        %dma_start3A_19 = arith.constant 0 : i32
        %dma_start3A_20 = tpu.memref_slice %arg8[%dma_start3A_19] : memref<10240xf32, #tpu.memory_space<vmem_shared>> -> memref<10240xf32, #tpu.memory_space<vmem_shared>>
        tpu.enqueue_indirect_dma source(%arg7 : memref<128xf32, #tpu.memory_space<vmem>>) target(%dma_start3A_20 : memref<10240xf32, #tpu.memory_space<vmem_shared>>) offsets(%dma_start3A_18 : memref<128xi32, #tpu.memory_space<vmem>>) semaphore(%run_scoped3A : memref<!tpu.dma_semaphore, #tpu.memory_space<semaphore_mem>>) {add = true}
        %dma_wait3A = arith.constant 0 : i32
        %dma_wait3A_21 = tpu.memref_slice %arg6[%add3A_16, %dma_wait3A] : memref<80x128xi32, #tpu.memory_space<vmem>> -> memref<1x128xi32, #tpu.memory_space<vmem>>
        %dma_wait3A_22 = tpu.memref_squeeze %dma_wait3A_21 : memref<1x128xi32, #tpu.memory_space<vmem>> -> memref<128xi32, #tpu.memory_space<vmem>>
        %dma_wait3A_23 = arith.constant 0 : i32
        %dma_wait3A_24 = tpu.memref_slice %arg8[%dma_wait3A_23] : memref<10240xf32, #tpu.memory_space<vmem_shared>> -> memref<10240xf32, #tpu.memory_space<vmem_shared>>
        tpu.wait_indirect_dma semaphore(%run_scoped3A : memref<!tpu.dma_semaphore, #tpu.memory_space<semaphore_mem>>) src(%arg7 : memref<128xf32, #tpu.memory_space<vmem>>) dst(%dma_wait3A_24 : memref<10240xf32, #tpu.memory_space<vmem_shared>>)
        tpu.yield
      }) : () -> ()
    }
    %scan3A_6 = arith.constant 80 : i32
    %barrier3A_7 = arith.constant 0 : index
    tpu.barrier barrier_id(%barrier3A_7)
    %mul3A_8 = arith.constant 640 : i32
    %mul3A_9 = arith.muli %arg1, %mul3A_8 : i32
    %mul3A_10 = arith.constant 640 : i32
    %mul3A_11 = arith.muli %arg1, %mul3A_10 : i32
    "tpu.region"() ({
      %run_scoped3A = tpu.sem_alloc : memref<!tpu.dma_semaphore, #tpu.memory_space<semaphore_mem>>
      %dma_start3A = tpu.memref_slice %arg5[%arg0, %mul3A_11] : memref<2x10240xf32, #tpu.memory_space<hbm>> -> memref<1x640xf32, #tpu.memory_space<hbm>>
      %dma_start3A_12 = tpu.memref_squeeze %dma_start3A : memref<1x640xf32, #tpu.memory_space<hbm>> -> memref<640xf32, #tpu.memory_space<hbm>>
      %dma_start3A_13 = tpu.memref_slice %arg8[%mul3A_9] : memref<10240xf32, #tpu.memory_space<vmem_shared>> -> memref<640xf32, #tpu.memory_space<vmem_shared>>
      tpu.enqueue_dma source(%dma_start3A_13 : memref<640xf32, #tpu.memory_space<vmem_shared>>) target(%dma_start3A_12 : memref<640xf32, #tpu.memory_space<hbm>>) target_semaphore(%run_scoped3A : memref<!tpu.dma_semaphore, #tpu.memory_space<semaphore_mem>>)
      %dma_wait3A = tpu.memref_slice %arg5[%arg0, %mul3A_11] : memref<2x10240xf32, #tpu.memory_space<hbm>> -> memref<1x640xf32, #tpu.memory_space<hbm>>
      %dma_wait3A_14 = tpu.memref_squeeze %dma_wait3A : memref<1x640xf32, #tpu.memory_space<hbm>> -> memref<640xf32, #tpu.memory_space<hbm>>
      %dma_wait3A_15 = tpu.memref_slice %arg8[%mul3A_9] : memref<10240xf32, #tpu.memory_space<vmem_shared>> -> memref<640xf32, #tpu.memory_space<vmem_shared>>
      tpu.wait_dma2 semaphore(%run_scoped3A : memref<!tpu.dma_semaphore, #tpu.memory_space<semaphore_mem>>) src(%dma_wait3A_15 : memref<640xf32, #tpu.memory_space<vmem_shared>>) dst(%dma_wait3A_14 : memref<640xf32, #tpu.memory_space<hbm>>)
      tpu.yield
    }) : () -> ()
    return
  }
}

#map = affine_map<(d0, d1) -> (0, 0)>
#map1 = affine_map<(d0, d1) -> (0, 0, 0)>
module attributes {stable_mosaic.version = 14 : i64} {
  func.func @_agg_kernel(%arg0: i32, %arg1: i32, %arg2: memref<10240x128xf32, #tpu.memory_space<hbm>>, %arg3: memref<32x80x128xi32, #tpu.memory_space<hbm>>, %arg4: memref<32x80x128xi32, #tpu.memory_space<hbm>>, %arg5: memref<128x128xf32, #tpu.memory_space<hbm>>, %arg6: memref<2x10240x128xf32, #tpu.memory_space<hbm>>, %arg7: memref<40x128xi32, #tpu.memory_space<vmem>>, %arg8: memref<40x128xi32, #tpu.memory_space<vmem>>, %arg9: memref<128x128xf32, #tpu.memory_space<vmem>>, %arg10: memref<128x128xf32, #tpu.memory_space<vmem>>, %arg11: memref<10240x128xf32, #tpu.memory_space<vmem_shared>>, %arg12: memref<!tpu.dma_semaphore, #tpu.memory_space<semaphore_mem>>, %arg13: memref<!tpu.dma_semaphore, #tpu.memory_space<semaphore_mem>>, %arg14: memref<!tpu.dma_semaphore, #tpu.memory_space<semaphore_mem>>, %arg15: memref<!tpu.dma_semaphore, #tpu.memory_space<semaphore_mem>>, %arg16: memref<!tpu.dma_semaphore, #tpu.memory_space<semaphore_mem>>) attributes {dimension_semantics = [#tpu.dimension_semantics<core_parallel>, #tpu.dimension_semantics<subcore_parallel>], iteration_bounds = array<i64: 2, 16>, scalar_prefetch = 0 : i64, scratch_operands = 10 : i64, tpu.core_type = #tpu.core_type<sc_vector_subcore>, window_params = [{transform_indices = #map}, {transform_indices = #map1}, {transform_indices = #map1}, {transform_indices = #map}, {transform_indices = #map1}]} {
    %mul3A = arith.constant 2 : i32
    %mul3A_0 = arith.muli %arg1, %mul3A : i32
    %add3A = arith.addi %mul3A_0, %arg0 : i32
    tpu.enqueue_dma source(%arg5 : memref<128x128xf32, #tpu.memory_space<hbm>>) target(%arg9 : memref<128x128xf32, #tpu.memory_space<vmem>>) target_semaphore(%arg16 : memref<!tpu.dma_semaphore, #tpu.memory_space<semaphore_mem>>)
    tpu.wait_dma2 semaphore(%arg16 : memref<!tpu.dma_semaphore, #tpu.memory_space<semaphore_mem>>) src(%arg5 : memref<128x128xf32, #tpu.memory_space<hbm>>) dst(%arg9 : memref<128x128xf32, #tpu.memory_space<vmem>>)
    %mul3A_1 = arith.constant 640 : i32
    %mul3A_2 = arith.muli %arg1, %mul3A_1 : i32
    %add3A_3 = arith.constant 0 : i32
    %add3A_4 = arith.addi %mul3A_2, %add3A_3 : i32
    %dma_start3A = arith.constant 0 : i32
    %dma_start3A_5 = tpu.memref_slice %arg11[%add3A_4, %dma_start3A] : memref<10240x128xf32, #tpu.memory_space<vmem_shared>> -> memref<128x128xf32, #tpu.memory_space<vmem_shared>>
    %dma_start3A_6 = arith.constant 0 : i32
    %dma_start3A_7 = tpu.memref_slice %arg11[%add3A_4, %dma_start3A_6] : memref<10240x128xf32, #tpu.memory_space<vmem_shared>> -> memref<128x128xf32, #tpu.memory_space<vmem_shared>>
    tpu.enqueue_dma source(%arg9 : memref<128x128xf32, #tpu.memory_space<vmem>>) target(%dma_start3A_7 : memref<128x128xf32, #tpu.memory_space<vmem_shared>>) target_semaphore(%arg16 : memref<!tpu.dma_semaphore, #tpu.memory_space<semaphore_mem>>)
    %mul3A_8 = arith.constant 640 : i32
    %mul3A_9 = arith.muli %arg1, %mul3A_8 : i32
    %add3A_10 = arith.constant 128 : i32
    %add3A_11 = arith.addi %mul3A_9, %add3A_10 : i32
    %dma_start3A_12 = arith.constant 0 : i32
    %dma_start3A_13 = tpu.memref_slice %arg11[%add3A_11, %dma_start3A_12] : memref<10240x128xf32, #tpu.memory_space<vmem_shared>> -> memref<128x128xf32, #tpu.memory_space<vmem_shared>>
    %dma_start3A_14 = arith.constant 0 : i32
    %dma_start3A_15 = tpu.memref_slice %arg11[%add3A_11, %dma_start3A_14] : memref<10240x128xf32, #tpu.memory_space<vmem_shared>> -> memref<128x128xf32, #tpu.memory_space<vmem_shared>>
    tpu.enqueue_dma source(%arg9 : memref<128x128xf32, #tpu.memory_space<vmem>>) target(%dma_start3A_15 : memref<128x128xf32, #tpu.memory_space<vmem_shared>>) target_semaphore(%arg16 : memref<!tpu.dma_semaphore, #tpu.memory_space<semaphore_mem>>)
    %mul3A_16 = arith.constant 640 : i32
    %mul3A_17 = arith.muli %arg1, %mul3A_16 : i32
    %add3A_18 = arith.constant 256 : i32
    %add3A_19 = arith.addi %mul3A_17, %add3A_18 : i32
    %dma_start3A_20 = arith.constant 0 : i32
    %dma_start3A_21 = tpu.memref_slice %arg11[%add3A_19, %dma_start3A_20] : memref<10240x128xf32, #tpu.memory_space<vmem_shared>> -> memref<128x128xf32, #tpu.memory_space<vmem_shared>>
    %dma_start3A_22 = arith.constant 0 : i32
    %dma_start3A_23 = tpu.memref_slice %arg11[%add3A_19, %dma_start3A_22] : memref<10240x128xf32, #tpu.memory_space<vmem_shared>> -> memref<128x128xf32, #tpu.memory_space<vmem_shared>>
    tpu.enqueue_dma source(%arg9 : memref<128x128xf32, #tpu.memory_space<vmem>>) target(%dma_start3A_23 : memref<128x128xf32, #tpu.memory_space<vmem_shared>>) target_semaphore(%arg16 : memref<!tpu.dma_semaphore, #tpu.memory_space<semaphore_mem>>)
    %mul3A_24 = arith.constant 640 : i32
    %mul3A_25 = arith.muli %arg1, %mul3A_24 : i32
    %add3A_26 = arith.constant 384 : i32
    %add3A_27 = arith.addi %mul3A_25, %add3A_26 : i32
    %dma_start3A_28 = arith.constant 0 : i32
    %dma_start3A_29 = tpu.memref_slice %arg11[%add3A_27, %dma_start3A_28] : memref<10240x128xf32, #tpu.memory_space<vmem_shared>> -> memref<128x128xf32, #tpu.memory_space<vmem_shared>>
    %dma_start3A_30 = arith.constant 0 : i32
    %dma_start3A_31 = tpu.memref_slice %arg11[%add3A_27, %dma_start3A_30] : memref<10240x128xf32, #tpu.memory_space<vmem_shared>> -> memref<128x128xf32, #tpu.memory_space<vmem_shared>>
    tpu.enqueue_dma source(%arg9 : memref<128x128xf32, #tpu.memory_space<vmem>>) target(%dma_start3A_31 : memref<128x128xf32, #tpu.memory_space<vmem_shared>>) target_semaphore(%arg16 : memref<!tpu.dma_semaphore, #tpu.memory_space<semaphore_mem>>)
    %mul3A_32 = arith.constant 640 : i32
    %mul3A_33 = arith.muli %arg1, %mul3A_32 : i32
    %add3A_34 = arith.constant 512 : i32
    %add3A_35 = arith.addi %mul3A_33, %add3A_34 : i32
    %dma_start3A_36 = arith.constant 0 : i32
    %dma_start3A_37 = tpu.memref_slice %arg11[%add3A_35, %dma_start3A_36] : memref<10240x128xf32, #tpu.memory_space<vmem_shared>> -> memref<128x128xf32, #tpu.memory_space<vmem_shared>>
    %dma_start3A_38 = arith.constant 0 : i32
    %dma_start3A_39 = tpu.memref_slice %arg11[%add3A_35, %dma_start3A_38] : memref<10240x128xf32, #tpu.memory_space<vmem_shared>> -> memref<128x128xf32, #tpu.memory_space<vmem_shared>>
    tpu.enqueue_dma source(%arg9 : memref<128x128xf32, #tpu.memory_space<vmem>>) target(%dma_start3A_39 : memref<128x128xf32, #tpu.memory_space<vmem_shared>>) target_semaphore(%arg16 : memref<!tpu.dma_semaphore, #tpu.memory_space<semaphore_mem>>)
    %dma_wait3A = arith.constant 0 : i32
    %dma_wait3A_40 = arith.constant 0 : i32
    %dma_wait3A_41 = tpu.memref_slice %arg11[%dma_wait3A, %dma_wait3A_40] : memref<10240x128xf32, #tpu.memory_space<vmem_shared>> -> memref<128x128xf32, #tpu.memory_space<vmem_shared>>
    %dma_wait3A_42 = arith.constant 0 : i32
    %dma_wait3A_43 = arith.constant 0 : i32
    %dma_wait3A_44 = tpu.memref_slice %arg11[%dma_wait3A_42, %dma_wait3A_43] : memref<10240x128xf32, #tpu.memory_space<vmem_shared>> -> memref<128x128xf32, #tpu.memory_space<vmem_shared>>
    tpu.wait_dma2 semaphore(%arg16 : memref<!tpu.dma_semaphore, #tpu.memory_space<semaphore_mem>>) src(%arg9 : memref<128x128xf32, #tpu.memory_space<vmem>>) dst(%dma_wait3A_44 : memref<128x128xf32, #tpu.memory_space<vmem_shared>>)
    %dma_wait3A_45 = arith.constant 0 : i32
    %dma_wait3A_46 = arith.constant 0 : i32
    %dma_wait3A_47 = tpu.memref_slice %arg11[%dma_wait3A_45, %dma_wait3A_46] : memref<10240x128xf32, #tpu.memory_space<vmem_shared>> -> memref<128x128xf32, #tpu.memory_space<vmem_shared>>
    %dma_wait3A_48 = arith.constant 0 : i32
    %dma_wait3A_49 = arith.constant 0 : i32
    %dma_wait3A_50 = tpu.memref_slice %arg11[%dma_wait3A_48, %dma_wait3A_49] : memref<10240x128xf32, #tpu.memory_space<vmem_shared>> -> memref<128x128xf32, #tpu.memory_space<vmem_shared>>
    tpu.wait_dma2 semaphore(%arg16 : memref<!tpu.dma_semaphore, #tpu.memory_space<semaphore_mem>>) src(%arg9 : memref<128x128xf32, #tpu.memory_space<vmem>>) dst(%dma_wait3A_50 : memref<128x128xf32, #tpu.memory_space<vmem_shared>>)
    %dma_wait3A_51 = arith.constant 0 : i32
    %dma_wait3A_52 = arith.constant 0 : i32
    %dma_wait3A_53 = tpu.memref_slice %arg11[%dma_wait3A_51, %dma_wait3A_52] : memref<10240x128xf32, #tpu.memory_space<vmem_shared>> -> memref<128x128xf32, #tpu.memory_space<vmem_shared>>
    %dma_wait3A_54 = arith.constant 0 : i32
    %dma_wait3A_55 = arith.constant 0 : i32
    %dma_wait3A_56 = tpu.memref_slice %arg11[%dma_wait3A_54, %dma_wait3A_55] : memref<10240x128xf32, #tpu.memory_space<vmem_shared>> -> memref<128x128xf32, #tpu.memory_space<vmem_shared>>
    tpu.wait_dma2 semaphore(%arg16 : memref<!tpu.dma_semaphore, #tpu.memory_space<semaphore_mem>>) src(%arg9 : memref<128x128xf32, #tpu.memory_space<vmem>>) dst(%dma_wait3A_56 : memref<128x128xf32, #tpu.memory_space<vmem_shared>>)
    %dma_wait3A_57 = arith.constant 0 : i32
    %dma_wait3A_58 = arith.constant 0 : i32
    %dma_wait3A_59 = tpu.memref_slice %arg11[%dma_wait3A_57, %dma_wait3A_58] : memref<10240x128xf32, #tpu.memory_space<vmem_shared>> -> memref<128x128xf32, #tpu.memory_space<vmem_shared>>
    %dma_wait3A_60 = arith.constant 0 : i32
    %dma_wait3A_61 = arith.constant 0 : i32
    %dma_wait3A_62 = tpu.memref_slice %arg11[%dma_wait3A_60, %dma_wait3A_61] : memref<10240x128xf32, #tpu.memory_space<vmem_shared>> -> memref<128x128xf32, #tpu.memory_space<vmem_shared>>
    tpu.wait_dma2 semaphore(%arg16 : memref<!tpu.dma_semaphore, #tpu.memory_space<semaphore_mem>>) src(%arg9 : memref<128x128xf32, #tpu.memory_space<vmem>>) dst(%dma_wait3A_62 : memref<128x128xf32, #tpu.memory_space<vmem_shared>>)
    %dma_wait3A_63 = arith.constant 0 : i32
    %dma_wait3A_64 = arith.constant 0 : i32
    %dma_wait3A_65 = tpu.memref_slice %arg11[%dma_wait3A_63, %dma_wait3A_64] : memref<10240x128xf32, #tpu.memory_space<vmem_shared>> -> memref<128x128xf32, #tpu.memory_space<vmem_shared>>
    %dma_wait3A_66 = arith.constant 0 : i32
    %dma_wait3A_67 = arith.constant 0 : i32
    %dma_wait3A_68 = tpu.memref_slice %arg11[%dma_wait3A_66, %dma_wait3A_67] : memref<10240x128xf32, #tpu.memory_space<vmem_shared>> -> memref<128x128xf32, #tpu.memory_space<vmem_shared>>
    tpu.wait_dma2 semaphore(%arg16 : memref<!tpu.dma_semaphore, #tpu.memory_space<semaphore_mem>>) src(%arg9 : memref<128x128xf32, #tpu.memory_space<vmem>>) dst(%dma_wait3A_68 : memref<128x128xf32, #tpu.memory_space<vmem_shared>>)
    %barrier3A = arith.constant 0 : index
    tpu.barrier barrier_id(%barrier3A)
    %dma_start3A_69 = arith.constant 0 : i32
    %dma_start3A_70 = arith.constant 0 : i32
    %dma_start3A_71 = tpu.memref_slice %arg3[%add3A, %dma_start3A_69, %dma_start3A_70] : memref<32x80x128xi32, #tpu.memory_space<hbm>> -> memref<1x40x128xi32, #tpu.memory_space<hbm>>
    %dma_start3A_72 = tpu.memref_squeeze %dma_start3A_71 : memref<1x40x128xi32, #tpu.memory_space<hbm>> -> memref<40x128xi32, #tpu.memory_space<hbm>>
    %dma_start3A_73 = arith.constant 0 : i32
    %dma_start3A_74 = arith.constant 0 : i32
    %dma_start3A_75 = tpu.memref_slice %arg3[%add3A, %dma_start3A_73, %dma_start3A_74] : memref<32x80x128xi32, #tpu.memory_space<hbm>> -> memref<1x40x128xi32, #tpu.memory_space<hbm>>
    %dma_start3A_76 = tpu.memref_squeeze %dma_start3A_75 : memref<1x40x128xi32, #tpu.memory_space<hbm>> -> memref<40x128xi32, #tpu.memory_space<hbm>>
    tpu.enqueue_dma source(%dma_start3A_76 : memref<40x128xi32, #tpu.memory_space<hbm>>) target(%arg7 : memref<40x128xi32, #tpu.memory_space<vmem>>) target_semaphore(%arg12 : memref<!tpu.dma_semaphore, #tpu.memory_space<semaphore_mem>>)
    %dma_start3A_77 = arith.constant 0 : i32
    %dma_start3A_78 = arith.constant 0 : i32
    %dma_start3A_79 = tpu.memref_slice %arg4[%add3A, %dma_start3A_77, %dma_start3A_78] : memref<32x80x128xi32, #tpu.memory_space<hbm>> -> memref<1x40x128xi32, #tpu.memory_space<hbm>>
    %dma_start3A_80 = tpu.memref_squeeze %dma_start3A_79 : memref<1x40x128xi32, #tpu.memory_space<hbm>> -> memref<40x128xi32, #tpu.memory_space<hbm>>
    %dma_start3A_81 = arith.constant 0 : i32
    %dma_start3A_82 = arith.constant 0 : i32
    %dma_start3A_83 = tpu.memref_slice %arg4[%add3A, %dma_start3A_81, %dma_start3A_82] : memref<32x80x128xi32, #tpu.memory_space<hbm>> -> memref<1x40x128xi32, #tpu.memory_space<hbm>>
    %dma_start3A_84 = tpu.memref_squeeze %dma_start3A_83 : memref<1x40x128xi32, #tpu.memory_space<hbm>> -> memref<40x128xi32, #tpu.memory_space<hbm>>
    tpu.enqueue_dma source(%dma_start3A_84 : memref<40x128xi32, #tpu.memory_space<hbm>>) target(%arg8 : memref<40x128xi32, #tpu.memory_space<vmem>>) target_semaphore(%arg13 : memref<!tpu.dma_semaphore, #tpu.memory_space<semaphore_mem>>)
    %dma_wait3A_85 = arith.constant 0 : i32
    %dma_wait3A_86 = arith.constant 0 : i32
    %dma_wait3A_87 = tpu.memref_slice %arg3[%add3A, %dma_wait3A_85, %dma_wait3A_86] : memref<32x80x128xi32, #tpu.memory_space<hbm>> -> memref<1x40x128xi32, #tpu.memory_space<hbm>>
    %dma_wait3A_88 = tpu.memref_squeeze %dma_wait3A_87 : memref<1x40x128xi32, #tpu.memory_space<hbm>> -> memref<40x128xi32, #tpu.memory_space<hbm>>
    %dma_wait3A_89 = arith.constant 0 : i32
    %dma_wait3A_90 = arith.constant 0 : i32
    %dma_wait3A_91 = tpu.memref_slice %arg3[%add3A, %dma_wait3A_89, %dma_wait3A_90] : memref<32x80x128xi32, #tpu.memory_space<hbm>> -> memref<1x40x128xi32, #tpu.memory_space<hbm>>
    %dma_wait3A_92 = tpu.memref_squeeze %dma_wait3A_91 : memref<1x40x128xi32, #tpu.memory_space<hbm>> -> memref<40x128xi32, #tpu.memory_space<hbm>>
    tpu.wait_dma2 semaphore(%arg12 : memref<!tpu.dma_semaphore, #tpu.memory_space<semaphore_mem>>) src(%dma_wait3A_92 : memref<40x128xi32, #tpu.memory_space<hbm>>) dst(%arg7 : memref<40x128xi32, #tpu.memory_space<vmem>>)
    %dma_wait3A_93 = arith.constant 0 : i32
    %dma_wait3A_94 = arith.constant 0 : i32
    %dma_wait3A_95 = tpu.memref_slice %arg4[%add3A, %dma_wait3A_93, %dma_wait3A_94] : memref<32x80x128xi32, #tpu.memory_space<hbm>> -> memref<1x40x128xi32, #tpu.memory_space<hbm>>
    %dma_wait3A_96 = tpu.memref_squeeze %dma_wait3A_95 : memref<1x40x128xi32, #tpu.memory_space<hbm>> -> memref<40x128xi32, #tpu.memory_space<hbm>>
    %dma_wait3A_97 = arith.constant 0 : i32
    %dma_wait3A_98 = arith.constant 0 : i32
    %dma_wait3A_99 = tpu.memref_slice %arg4[%add3A, %dma_wait3A_97, %dma_wait3A_98] : memref<32x80x128xi32, #tpu.memory_space<hbm>> -> memref<1x40x128xi32, #tpu.memory_space<hbm>>
    %dma_wait3A_100 = tpu.memref_squeeze %dma_wait3A_99 : memref<1x40x128xi32, #tpu.memory_space<hbm>> -> memref<40x128xi32, #tpu.memory_space<hbm>>
    tpu.wait_dma2 semaphore(%arg13 : memref<!tpu.dma_semaphore, #tpu.memory_space<semaphore_mem>>) src(%dma_wait3A_100 : memref<40x128xi32, #tpu.memory_space<hbm>>) dst(%arg8 : memref<40x128xi32, #tpu.memory_space<vmem>>)
    %dma_start3A_101 = arith.constant 0 : i32
    %dma_start3A_102 = arith.constant 0 : i32
    %dma_start3A_103 = tpu.memref_slice %arg7[%dma_start3A_101, %dma_start3A_102] : memref<40x128xi32, #tpu.memory_space<vmem>> -> memref<1x128xi32, #tpu.memory_space<vmem>>
    %dma_start3A_104 = tpu.memref_squeeze %dma_start3A_103 : memref<1x128xi32, #tpu.memory_space<vmem>> -> memref<128xi32, #tpu.memory_space<vmem>>
    %dma_start3A_105 = arith.constant 0 : i32
    %dma_start3A_106 = arith.constant 0 : i32
    %dma_start3A_107 = tpu.memref_slice %arg2[%dma_start3A_105, %dma_start3A_106] : memref<10240x128xf32, #tpu.memory_space<hbm>> -> memref<10240x128xf32, #tpu.memory_space<hbm>>
    tpu.enqueue_indirect_dma source(%dma_start3A_107 : memref<10240x128xf32, #tpu.memory_space<hbm>>) target(%arg9 : memref<128x128xf32, #tpu.memory_space<vmem>>) offsets(%dma_start3A_104 : memref<128xi32, #tpu.memory_space<vmem>>) semaphore(%arg12 : memref<!tpu.dma_semaphore, #tpu.memory_space<semaphore_mem>>)
    %dma_start3A_108 = arith.constant 1 : i32
    %dma_start3A_109 = arith.constant 0 : i32
    %dma_start3A_110 = tpu.memref_slice %arg7[%dma_start3A_108, %dma_start3A_109] : memref<40x128xi32, #tpu.memory_space<vmem>> -> memref<1x128xi32, #tpu.memory_space<vmem>>
    %dma_start3A_111 = tpu.memref_squeeze %dma_start3A_110 : memref<1x128xi32, #tpu.memory_space<vmem>> -> memref<128xi32, #tpu.memory_space<vmem>>
    %dma_start3A_112 = arith.constant 0 : i32
    %dma_start3A_113 = arith.constant 0 : i32
    %dma_start3A_114 = tpu.memref_slice %arg2[%dma_start3A_112, %dma_start3A_113] : memref<10240x128xf32, #tpu.memory_space<hbm>> -> memref<10240x128xf32, #tpu.memory_space<hbm>>
    tpu.enqueue_indirect_dma source(%dma_start3A_114 : memref<10240x128xf32, #tpu.memory_space<hbm>>) target(%arg10 : memref<128x128xf32, #tpu.memory_space<vmem>>) offsets(%dma_start3A_111 : memref<128xi32, #tpu.memory_space<vmem>>) semaphore(%arg13 : memref<!tpu.dma_semaphore, #tpu.memory_space<semaphore_mem>>)
    %scan3A = arith.constant 0 : i32
    %scan3A_115 = arith.constant 19 : i32
    %scan3A_116 = arith.addi %scan3A, %scan3A_115 : i32
    %scan3A_117 = arith.constant 1 : i32
    scf.for %scan3A_345 = %scan3A to %scan3A_116 step %scan3A_117  : i32 {
      %mul3A_346 = arith.constant 2 : i32
      %mul3A_347 = arith.muli %scan3A_345, %mul3A_346 : i32
      %add3A_348 = arith.constant 0 : i32
      %add3A_349 = arith.addi %add3A_348, %mul3A_347 : i32
      %add3A_350 = arith.constant 0 : i32
      %add3A_351 = arith.addi %add3A_349, %add3A_350 : i32
      %dma_wait3A_352 = arith.constant 0 : i32
      %dma_wait3A_353 = tpu.memref_slice %arg7[%add3A_351, %dma_wait3A_352] : memref<40x128xi32, #tpu.memory_space<vmem>> -> memref<1x128xi32, #tpu.memory_space<vmem>>
      %dma_wait3A_354 = tpu.memref_squeeze %dma_wait3A_353 : memref<1x128xi32, #tpu.memory_space<vmem>> -> memref<128xi32, #tpu.memory_space<vmem>>
      %dma_wait3A_355 = arith.constant 0 : i32
      %dma_wait3A_356 = arith.constant 0 : i32
      %dma_wait3A_357 = tpu.memref_slice %arg2[%dma_wait3A_355, %dma_wait3A_356] : memref<10240x128xf32, #tpu.memory_space<hbm>> -> memref<10240x128xf32, #tpu.memory_space<hbm>>
      tpu.wait_indirect_dma semaphore(%arg12 : memref<!tpu.dma_semaphore, #tpu.memory_space<semaphore_mem>>) src(%dma_wait3A_357 : memref<10240x128xf32, #tpu.memory_space<hbm>>) dst(%arg9 : memref<128x128xf32, #tpu.memory_space<vmem>>)
      %dma_start3A_358 = arith.constant 0 : i32
      %dma_start3A_359 = tpu.memref_slice %arg8[%add3A_351, %dma_start3A_358] : memref<40x128xi32, #tpu.memory_space<vmem>> -> memref<1x128xi32, #tpu.memory_space<vmem>>
      %dma_start3A_360 = tpu.memref_squeeze %dma_start3A_359 : memref<1x128xi32, #tpu.memory_space<vmem>> -> memref<128xi32, #tpu.memory_space<vmem>>
      %dma_start3A_361 = arith.constant 0 : i32
      %dma_start3A_362 = arith.constant 0 : i32
      %dma_start3A_363 = tpu.memref_slice %arg11[%dma_start3A_361, %dma_start3A_362] : memref<10240x128xf32, #tpu.memory_space<vmem_shared>> -> memref<10240x128xf32, #tpu.memory_space<vmem_shared>>
      tpu.enqueue_indirect_dma source(%arg9 : memref<128x128xf32, #tpu.memory_space<vmem>>) target(%dma_start3A_363 : memref<10240x128xf32, #tpu.memory_space<vmem_shared>>) offsets(%dma_start3A_360 : memref<128xi32, #tpu.memory_space<vmem>>) semaphore(%arg14 : memref<!tpu.dma_semaphore, #tpu.memory_space<semaphore_mem>>) {add = true}
      %dma_wait3A_364 = arith.constant 0 : i32
      %dma_wait3A_365 = tpu.memref_slice %arg8[%add3A_351, %dma_wait3A_364] : memref<40x128xi32, #tpu.memory_space<vmem>> -> memref<1x128xi32, #tpu.memory_space<vmem>>
      %dma_wait3A_366 = tpu.memref_squeeze %dma_wait3A_365 : memref<1x128xi32, #tpu.memory_space<vmem>> -> memref<128xi32, #tpu.memory_space<vmem>>
      %dma_wait3A_367 = arith.constant 0 : i32
      %dma_wait3A_368 = arith.constant 0 : i32
      %dma_wait3A_369 = tpu.memref_slice %arg11[%dma_wait3A_367, %dma_wait3A_368] : memref<10240x128xf32, #tpu.memory_space<vmem_shared>> -> memref<10240x128xf32, #tpu.memory_space<vmem_shared>>
      tpu.wait_indirect_dma semaphore(%arg14 : memref<!tpu.dma_semaphore, #tpu.memory_space<semaphore_mem>>) src(%arg9 : memref<128x128xf32, #tpu.memory_space<vmem>>) dst(%dma_wait3A_369 : memref<10240x128xf32, #tpu.memory_space<vmem_shared>>)
      %add3A_370 = arith.constant 2 : i32
      %add3A_371 = arith.addi %add3A_351, %add3A_370 : i32
      %dma_start3A_372 = arith.constant 0 : i32
      %dma_start3A_373 = tpu.memref_slice %arg7[%add3A_371, %dma_start3A_372] : memref<40x128xi32, #tpu.memory_space<vmem>> -> memref<1x128xi32, #tpu.memory_space<vmem>>
      %dma_start3A_374 = tpu.memref_squeeze %dma_start3A_373 : memref<1x128xi32, #tpu.memory_space<vmem>> -> memref<128xi32, #tpu.memory_space<vmem>>
      %dma_start3A_375 = arith.constant 0 : i32
      %dma_start3A_376 = arith.constant 0 : i32
      %dma_start3A_377 = tpu.memref_slice %arg2[%dma_start3A_375, %dma_start3A_376] : memref<10240x128xf32, #tpu.memory_space<hbm>> -> memref<10240x128xf32, #tpu.memory_space<hbm>>
      tpu.enqueue_indirect_dma source(%dma_start3A_377 : memref<10240x128xf32, #tpu.memory_space<hbm>>) target(%arg9 : memref<128x128xf32, #tpu.memory_space<vmem>>) offsets(%dma_start3A_374 : memref<128xi32, #tpu.memory_space<vmem>>) semaphore(%arg12 : memref<!tpu.dma_semaphore, #tpu.memory_space<semaphore_mem>>)
      %add3A_378 = arith.constant 1 : i32
      %add3A_379 = arith.addi %add3A_349, %add3A_378 : i32
      %dma_wait3A_380 = arith.constant 0 : i32
      %dma_wait3A_381 = tpu.memref_slice %arg7[%add3A_379, %dma_wait3A_380] : memref<40x128xi32, #tpu.memory_space<vmem>> -> memref<1x128xi32, #tpu.memory_space<vmem>>
      %dma_wait3A_382 = tpu.memref_squeeze %dma_wait3A_381 : memref<1x128xi32, #tpu.memory_space<vmem>> -> memref<128xi32, #tpu.memory_space<vmem>>
      %dma_wait3A_383 = arith.constant 0 : i32
      %dma_wait3A_384 = arith.constant 0 : i32
      %dma_wait3A_385 = tpu.memref_slice %arg2[%dma_wait3A_383, %dma_wait3A_384] : memref<10240x128xf32, #tpu.memory_space<hbm>> -> memref<10240x128xf32, #tpu.memory_space<hbm>>
      tpu.wait_indirect_dma semaphore(%arg13 : memref<!tpu.dma_semaphore, #tpu.memory_space<semaphore_mem>>) src(%dma_wait3A_385 : memref<10240x128xf32, #tpu.memory_space<hbm>>) dst(%arg10 : memref<128x128xf32, #tpu.memory_space<vmem>>)
      %dma_start3A_386 = arith.constant 0 : i32
      %dma_start3A_387 = tpu.memref_slice %arg8[%add3A_379, %dma_start3A_386] : memref<40x128xi32, #tpu.memory_space<vmem>> -> memref<1x128xi32, #tpu.memory_space<vmem>>
      %dma_start3A_388 = tpu.memref_squeeze %dma_start3A_387 : memref<1x128xi32, #tpu.memory_space<vmem>> -> memref<128xi32, #tpu.memory_space<vmem>>
      %dma_start3A_389 = arith.constant 0 : i32
      %dma_start3A_390 = arith.constant 0 : i32
      %dma_start3A_391 = tpu.memref_slice %arg11[%dma_start3A_389, %dma_start3A_390] : memref<10240x128xf32, #tpu.memory_space<vmem_shared>> -> memref<10240x128xf32, #tpu.memory_space<vmem_shared>>
      tpu.enqueue_indirect_dma source(%arg10 : memref<128x128xf32, #tpu.memory_space<vmem>>) target(%dma_start3A_391 : memref<10240x128xf32, #tpu.memory_space<vmem_shared>>) offsets(%dma_start3A_388 : memref<128xi32, #tpu.memory_space<vmem>>) semaphore(%arg15 : memref<!tpu.dma_semaphore, #tpu.memory_space<semaphore_mem>>) {add = true}
      %dma_wait3A_392 = arith.constant 0 : i32
      %dma_wait3A_393 = tpu.memref_slice %arg8[%add3A_379, %dma_wait3A_392] : memref<40x128xi32, #tpu.memory_space<vmem>> -> memref<1x128xi32, #tpu.memory_space<vmem>>
      %dma_wait3A_394 = tpu.memref_squeeze %dma_wait3A_393 : memref<1x128xi32, #tpu.memory_space<vmem>> -> memref<128xi32, #tpu.memory_space<vmem>>
      %dma_wait3A_395 = arith.constant 0 : i32
      %dma_wait3A_396 = arith.constant 0 : i32
      %dma_wait3A_397 = tpu.memref_slice %arg11[%dma_wait3A_395, %dma_wait3A_396] : memref<10240x128xf32, #tpu.memory_space<vmem_shared>> -> memref<10240x128xf32, #tpu.memory_space<vmem_shared>>
      tpu.wait_indirect_dma semaphore(%arg15 : memref<!tpu.dma_semaphore, #tpu.memory_space<semaphore_mem>>) src(%arg10 : memref<128x128xf32, #tpu.memory_space<vmem>>) dst(%dma_wait3A_397 : memref<10240x128xf32, #tpu.memory_space<vmem_shared>>)
      %add3A_398 = arith.constant 2 : i32
      %add3A_399 = arith.addi %add3A_379, %add3A_398 : i32
      %dma_start3A_400 = arith.constant 0 : i32
      %dma_start3A_401 = tpu.memref_slice %arg7[%add3A_399, %dma_start3A_400] : memref<40x128xi32, #tpu.memory_space<vmem>> -> memref<1x128xi32, #tpu.memory_space<vmem>>
      %dma_start3A_402 = tpu.memref_squeeze %dma_start3A_401 : memref<1x128xi32, #tpu.memory_space<vmem>> -> memref<128xi32, #tpu.memory_space<vmem>>
      %dma_start3A_403 = arith.constant 0 : i32
      %dma_start3A_404 = arith.constant 0 : i32
      %dma_start3A_405 = tpu.memref_slice %arg2[%dma_start3A_403, %dma_start3A_404] : memref<10240x128xf32, #tpu.memory_space<hbm>> -> memref<10240x128xf32, #tpu.memory_space<hbm>>
      tpu.enqueue_indirect_dma source(%dma_start3A_405 : memref<10240x128xf32, #tpu.memory_space<hbm>>) target(%arg10 : memref<128x128xf32, #tpu.memory_space<vmem>>) offsets(%dma_start3A_402 : memref<128xi32, #tpu.memory_space<vmem>>) semaphore(%arg13 : memref<!tpu.dma_semaphore, #tpu.memory_space<semaphore_mem>>)
    }
    %scan3A_118 = arith.constant 19 : i32
    %dma_wait3A_119 = arith.constant 38 : i32
    %dma_wait3A_120 = arith.constant 0 : i32
    %dma_wait3A_121 = tpu.memref_slice %arg7[%dma_wait3A_119, %dma_wait3A_120] : memref<40x128xi32, #tpu.memory_space<vmem>> -> memref<1x128xi32, #tpu.memory_space<vmem>>
    %dma_wait3A_122 = tpu.memref_squeeze %dma_wait3A_121 : memref<1x128xi32, #tpu.memory_space<vmem>> -> memref<128xi32, #tpu.memory_space<vmem>>
    %dma_wait3A_123 = arith.constant 0 : i32
    %dma_wait3A_124 = arith.constant 0 : i32
    %dma_wait3A_125 = tpu.memref_slice %arg2[%dma_wait3A_123, %dma_wait3A_124] : memref<10240x128xf32, #tpu.memory_space<hbm>> -> memref<10240x128xf32, #tpu.memory_space<hbm>>
    tpu.wait_indirect_dma semaphore(%arg12 : memref<!tpu.dma_semaphore, #tpu.memory_space<semaphore_mem>>) src(%dma_wait3A_125 : memref<10240x128xf32, #tpu.memory_space<hbm>>) dst(%arg9 : memref<128x128xf32, #tpu.memory_space<vmem>>)
    %dma_start3A_126 = arith.constant 38 : i32
    %dma_start3A_127 = arith.constant 0 : i32
    %dma_start3A_128 = tpu.memref_slice %arg8[%dma_start3A_126, %dma_start3A_127] : memref<40x128xi32, #tpu.memory_space<vmem>> -> memref<1x128xi32, #tpu.memory_space<vmem>>
    %dma_start3A_129 = tpu.memref_squeeze %dma_start3A_128 : memref<1x128xi32, #tpu.memory_space<vmem>> -> memref<128xi32, #tpu.memory_space<vmem>>
    %dma_start3A_130 = arith.constant 0 : i32
    %dma_start3A_131 = arith.constant 0 : i32
    %dma_start3A_132 = tpu.memref_slice %arg11[%dma_start3A_130, %dma_start3A_131] : memref<10240x128xf32, #tpu.memory_space<vmem_shared>> -> memref<10240x128xf32, #tpu.memory_space<vmem_shared>>
    tpu.enqueue_indirect_dma source(%arg9 : memref<128x128xf32, #tpu.memory_space<vmem>>) target(%dma_start3A_132 : memref<10240x128xf32, #tpu.memory_space<vmem_shared>>) offsets(%dma_start3A_129 : memref<128xi32, #tpu.memory_space<vmem>>) semaphore(%arg14 : memref<!tpu.dma_semaphore, #tpu.memory_space<semaphore_mem>>) {add = true}
    %dma_wait3A_133 = arith.constant 39 : i32
    %dma_wait3A_134 = arith.constant 0 : i32
    %dma_wait3A_135 = tpu.memref_slice %arg7[%dma_wait3A_133, %dma_wait3A_134] : memref<40x128xi32, #tpu.memory_space<vmem>> -> memref<1x128xi32, #tpu.memory_space<vmem>>
    %dma_wait3A_136 = tpu.memref_squeeze %dma_wait3A_135 : memref<1x128xi32, #tpu.memory_space<vmem>> -> memref<128xi32, #tpu.memory_space<vmem>>
    %dma_wait3A_137 = arith.constant 0 : i32
    %dma_wait3A_138 = arith.constant 0 : i32
    %dma_wait3A_139 = tpu.memref_slice %arg2[%dma_wait3A_137, %dma_wait3A_138] : memref<10240x128xf32, #tpu.memory_space<hbm>> -> memref<10240x128xf32, #tpu.memory_space<hbm>>
    tpu.wait_indirect_dma semaphore(%arg13 : memref<!tpu.dma_semaphore, #tpu.memory_space<semaphore_mem>>) src(%dma_wait3A_139 : memref<10240x128xf32, #tpu.memory_space<hbm>>) dst(%arg10 : memref<128x128xf32, #tpu.memory_space<vmem>>)
    %dma_start3A_140 = arith.constant 39 : i32
    %dma_start3A_141 = arith.constant 0 : i32
    %dma_start3A_142 = tpu.memref_slice %arg8[%dma_start3A_140, %dma_start3A_141] : memref<40x128xi32, #tpu.memory_space<vmem>> -> memref<1x128xi32, #tpu.memory_space<vmem>>
    %dma_start3A_143 = tpu.memref_squeeze %dma_start3A_142 : memref<1x128xi32, #tpu.memory_space<vmem>> -> memref<128xi32, #tpu.memory_space<vmem>>
    %dma_start3A_144 = arith.constant 0 : i32
    %dma_start3A_145 = arith.constant 0 : i32
    %dma_start3A_146 = tpu.memref_slice %arg11[%dma_start3A_144, %dma_start3A_145] : memref<10240x128xf32, #tpu.memory_space<vmem_shared>> -> memref<10240x128xf32, #tpu.memory_space<vmem_shared>>
    tpu.enqueue_indirect_dma source(%arg10 : memref<128x128xf32, #tpu.memory_space<vmem>>) target(%dma_start3A_146 : memref<10240x128xf32, #tpu.memory_space<vmem_shared>>) offsets(%dma_start3A_143 : memref<128xi32, #tpu.memory_space<vmem>>) semaphore(%arg15 : memref<!tpu.dma_semaphore, #tpu.memory_space<semaphore_mem>>) {add = true}
    %dma_wait3A_147 = arith.constant 38 : i32
    %dma_wait3A_148 = arith.constant 0 : i32
    %dma_wait3A_149 = tpu.memref_slice %arg8[%dma_wait3A_147, %dma_wait3A_148] : memref<40x128xi32, #tpu.memory_space<vmem>> -> memref<1x128xi32, #tpu.memory_space<vmem>>
    %dma_wait3A_150 = tpu.memref_squeeze %dma_wait3A_149 : memref<1x128xi32, #tpu.memory_space<vmem>> -> memref<128xi32, #tpu.memory_space<vmem>>
    %dma_wait3A_151 = arith.constant 0 : i32
    %dma_wait3A_152 = arith.constant 0 : i32
    %dma_wait3A_153 = tpu.memref_slice %arg11[%dma_wait3A_151, %dma_wait3A_152] : memref<10240x128xf32, #tpu.memory_space<vmem_shared>> -> memref<10240x128xf32, #tpu.memory_space<vmem_shared>>
    tpu.wait_indirect_dma semaphore(%arg14 : memref<!tpu.dma_semaphore, #tpu.memory_space<semaphore_mem>>) src(%arg9 : memref<128x128xf32, #tpu.memory_space<vmem>>) dst(%dma_wait3A_153 : memref<10240x128xf32, #tpu.memory_space<vmem_shared>>)
    %dma_wait3A_154 = arith.constant 39 : i32
    %dma_wait3A_155 = arith.constant 0 : i32
    %dma_wait3A_156 = tpu.memref_slice %arg8[%dma_wait3A_154, %dma_wait3A_155] : memref<40x128xi32, #tpu.memory_space<vmem>> -> memref<1x128xi32, #tpu.memory_space<vmem>>
    %dma_wait3A_157 = tpu.memref_squeeze %dma_wait3A_156 : memref<1x128xi32, #tpu.memory_space<vmem>> -> memref<128xi32, #tpu.memory_space<vmem>>
    %dma_wait3A_158 = arith.constant 0 : i32
    %dma_wait3A_159 = arith.constant 0 : i32
    %dma_wait3A_160 = tpu.memref_slice %arg11[%dma_wait3A_158, %dma_wait3A_159] : memref<10240x128xf32, #tpu.memory_space<vmem_shared>> -> memref<10240x128xf32, #tpu.memory_space<vmem_shared>>
    tpu.wait_indirect_dma semaphore(%arg15 : memref<!tpu.dma_semaphore, #tpu.memory_space<semaphore_mem>>) src(%arg10 : memref<128x128xf32, #tpu.memory_space<vmem>>) dst(%dma_wait3A_160 : memref<10240x128xf32, #tpu.memory_space<vmem_shared>>)
    %dma_start3A_161 = arith.constant 40 : i32
    %dma_start3A_162 = arith.constant 0 : i32
    %dma_start3A_163 = tpu.memref_slice %arg3[%add3A, %dma_start3A_161, %dma_start3A_162] : memref<32x80x128xi32, #tpu.memory_space<hbm>> -> memref<1x40x128xi32, #tpu.memory_space<hbm>>
    %dma_start3A_164 = tpu.memref_squeeze %dma_start3A_163 : memref<1x40x128xi32, #tpu.memory_space<hbm>> -> memref<40x128xi32, #tpu.memory_space<hbm>>
    %dma_start3A_165 = arith.constant 40 : i32
    %dma_start3A_166 = arith.constant 0 : i32
    %dma_start3A_167 = tpu.memref_slice %arg3[%add3A, %dma_start3A_165, %dma_start3A_166] : memref<32x80x128xi32, #tpu.memory_space<hbm>> -> memref<1x40x128xi32, #tpu.memory_space<hbm>>
    %dma_start3A_168 = tpu.memref_squeeze %dma_start3A_167 : memref<1x40x128xi32, #tpu.memory_space<hbm>> -> memref<40x128xi32, #tpu.memory_space<hbm>>
    tpu.enqueue_dma source(%dma_start3A_168 : memref<40x128xi32, #tpu.memory_space<hbm>>) target(%arg7 : memref<40x128xi32, #tpu.memory_space<vmem>>) target_semaphore(%arg12 : memref<!tpu.dma_semaphore, #tpu.memory_space<semaphore_mem>>)
    %dma_start3A_169 = arith.constant 40 : i32
    %dma_start3A_170 = arith.constant 0 : i32
    %dma_start3A_171 = tpu.memref_slice %arg4[%add3A, %dma_start3A_169, %dma_start3A_170] : memref<32x80x128xi32, #tpu.memory_space<hbm>> -> memref<1x40x128xi32, #tpu.memory_space<hbm>>
    %dma_start3A_172 = tpu.memref_squeeze %dma_start3A_171 : memref<1x40x128xi32, #tpu.memory_space<hbm>> -> memref<40x128xi32, #tpu.memory_space<hbm>>
    %dma_start3A_173 = arith.constant 40 : i32
    %dma_start3A_174 = arith.constant 0 : i32
    %dma_start3A_175 = tpu.memref_slice %arg4[%add3A, %dma_start3A_173, %dma_start3A_174] : memref<32x80x128xi32, #tpu.memory_space<hbm>> -> memref<1x40x128xi32, #tpu.memory_space<hbm>>
    %dma_start3A_176 = tpu.memref_squeeze %dma_start3A_175 : memref<1x40x128xi32, #tpu.memory_space<hbm>> -> memref<40x128xi32, #tpu.memory_space<hbm>>
    tpu.enqueue_dma source(%dma_start3A_176 : memref<40x128xi32, #tpu.memory_space<hbm>>) target(%arg8 : memref<40x128xi32, #tpu.memory_space<vmem>>) target_semaphore(%arg13 : memref<!tpu.dma_semaphore, #tpu.memory_space<semaphore_mem>>)
    %dma_wait3A_177 = arith.constant 40 : i32
    %dma_wait3A_178 = arith.constant 0 : i32
    %dma_wait3A_179 = tpu.memref_slice %arg3[%add3A, %dma_wait3A_177, %dma_wait3A_178] : memref<32x80x128xi32, #tpu.memory_space<hbm>> -> memref<1x40x128xi32, #tpu.memory_space<hbm>>
    %dma_wait3A_180 = tpu.memref_squeeze %dma_wait3A_179 : memref<1x40x128xi32, #tpu.memory_space<hbm>> -> memref<40x128xi32, #tpu.memory_space<hbm>>
    %dma_wait3A_181 = arith.constant 40 : i32
    %dma_wait3A_182 = arith.constant 0 : i32
    %dma_wait3A_183 = tpu.memref_slice %arg3[%add3A, %dma_wait3A_181, %dma_wait3A_182] : memref<32x80x128xi32, #tpu.memory_space<hbm>> -> memref<1x40x128xi32, #tpu.memory_space<hbm>>
    %dma_wait3A_184 = tpu.memref_squeeze %dma_wait3A_183 : memref<1x40x128xi32, #tpu.memory_space<hbm>> -> memref<40x128xi32, #tpu.memory_space<hbm>>
    tpu.wait_dma2 semaphore(%arg12 : memref<!tpu.dma_semaphore, #tpu.memory_space<semaphore_mem>>) src(%dma_wait3A_184 : memref<40x128xi32, #tpu.memory_space<hbm>>) dst(%arg7 : memref<40x128xi32, #tpu.memory_space<vmem>>)
    %dma_wait3A_185 = arith.constant 40 : i32
    %dma_wait3A_186 = arith.constant 0 : i32
    %dma_wait3A_187 = tpu.memref_slice %arg4[%add3A, %dma_wait3A_185, %dma_wait3A_186] : memref<32x80x128xi32, #tpu.memory_space<hbm>> -> memref<1x40x128xi32, #tpu.memory_space<hbm>>
    %dma_wait3A_188 = tpu.memref_squeeze %dma_wait3A_187 : memref<1x40x128xi32, #tpu.memory_space<hbm>> -> memref<40x128xi32, #tpu.memory_space<hbm>>
    %dma_wait3A_189 = arith.constant 40 : i32
    %dma_wait3A_190 = arith.constant 0 : i32
    %dma_wait3A_191 = tpu.memref_slice %arg4[%add3A, %dma_wait3A_189, %dma_wait3A_190] : memref<32x80x128xi32, #tpu.memory_space<hbm>> -> memref<1x40x128xi32, #tpu.memory_space<hbm>>
    %dma_wait3A_192 = tpu.memref_squeeze %dma_wait3A_191 : memref<1x40x128xi32, #tpu.memory_space<hbm>> -> memref<40x128xi32, #tpu.memory_space<hbm>>
    tpu.wait_dma2 semaphore(%arg13 : memref<!tpu.dma_semaphore, #tpu.memory_space<semaphore_mem>>) src(%dma_wait3A_192 : memref<40x128xi32, #tpu.memory_space<hbm>>) dst(%arg8 : memref<40x128xi32, #tpu.memory_space<vmem>>)
    %dma_start3A_193 = arith.constant 0 : i32
    %dma_start3A_194 = arith.constant 0 : i32
    %dma_start3A_195 = tpu.memref_slice %arg7[%dma_start3A_193, %dma_start3A_194] : memref<40x128xi32, #tpu.memory_space<vmem>> -> memref<1x128xi32, #tpu.memory_space<vmem>>
    %dma_start3A_196 = tpu.memref_squeeze %dma_start3A_195 : memref<1x128xi32, #tpu.memory_space<vmem>> -> memref<128xi32, #tpu.memory_space<vmem>>
    %dma_start3A_197 = arith.constant 0 : i32
    %dma_start3A_198 = arith.constant 0 : i32
    %dma_start3A_199 = tpu.memref_slice %arg2[%dma_start3A_197, %dma_start3A_198] : memref<10240x128xf32, #tpu.memory_space<hbm>> -> memref<10240x128xf32, #tpu.memory_space<hbm>>
    tpu.enqueue_indirect_dma source(%dma_start3A_199 : memref<10240x128xf32, #tpu.memory_space<hbm>>) target(%arg9 : memref<128x128xf32, #tpu.memory_space<vmem>>) offsets(%dma_start3A_196 : memref<128xi32, #tpu.memory_space<vmem>>) semaphore(%arg12 : memref<!tpu.dma_semaphore, #tpu.memory_space<semaphore_mem>>)
    %dma_start3A_200 = arith.constant 1 : i32
    %dma_start3A_201 = arith.constant 0 : i32
    %dma_start3A_202 = tpu.memref_slice %arg7[%dma_start3A_200, %dma_start3A_201] : memref<40x128xi32, #tpu.memory_space<vmem>> -> memref<1x128xi32, #tpu.memory_space<vmem>>
    %dma_start3A_203 = tpu.memref_squeeze %dma_start3A_202 : memref<1x128xi32, #tpu.memory_space<vmem>> -> memref<128xi32, #tpu.memory_space<vmem>>
    %dma_start3A_204 = arith.constant 0 : i32
    %dma_start3A_205 = arith.constant 0 : i32
    %dma_start3A_206 = tpu.memref_slice %arg2[%dma_start3A_204, %dma_start3A_205] : memref<10240x128xf32, #tpu.memory_space<hbm>> -> memref<10240x128xf32, #tpu.memory_space<hbm>>
    tpu.enqueue_indirect_dma source(%dma_start3A_206 : memref<10240x128xf32, #tpu.memory_space<hbm>>) target(%arg10 : memref<128x128xf32, #tpu.memory_space<vmem>>) offsets(%dma_start3A_203 : memref<128xi32, #tpu.memory_space<vmem>>) semaphore(%arg13 : memref<!tpu.dma_semaphore, #tpu.memory_space<semaphore_mem>>)
    %scan3A_207 = arith.constant 0 : i32
    %scan3A_208 = arith.constant 19 : i32
    %scan3A_209 = arith.addi %scan3A_207, %scan3A_208 : i32
    %scan3A_210 = arith.constant 1 : i32
    scf.for %scan3A_345 = %scan3A_207 to %scan3A_209 step %scan3A_210  : i32 {
      %mul3A_346 = arith.constant 2 : i32
      %mul3A_347 = arith.muli %scan3A_345, %mul3A_346 : i32
      %add3A_348 = arith.constant 0 : i32
      %add3A_349 = arith.addi %add3A_348, %mul3A_347 : i32
      %add3A_350 = arith.constant 0 : i32
      %add3A_351 = arith.addi %add3A_349, %add3A_350 : i32
      %dma_wait3A_352 = arith.constant 0 : i32
      %dma_wait3A_353 = tpu.memref_slice %arg7[%add3A_351, %dma_wait3A_352] : memref<40x128xi32, #tpu.memory_space<vmem>> -> memref<1x128xi32, #tpu.memory_space<vmem>>
      %dma_wait3A_354 = tpu.memref_squeeze %dma_wait3A_353 : memref<1x128xi32, #tpu.memory_space<vmem>> -> memref<128xi32, #tpu.memory_space<vmem>>
      %dma_wait3A_355 = arith.constant 0 : i32
      %dma_wait3A_356 = arith.constant 0 : i32
      %dma_wait3A_357 = tpu.memref_slice %arg2[%dma_wait3A_355, %dma_wait3A_356] : memref<10240x128xf32, #tpu.memory_space<hbm>> -> memref<10240x128xf32, #tpu.memory_space<hbm>>
      tpu.wait_indirect_dma semaphore(%arg12 : memref<!tpu.dma_semaphore, #tpu.memory_space<semaphore_mem>>) src(%dma_wait3A_357 : memref<10240x128xf32, #tpu.memory_space<hbm>>) dst(%arg9 : memref<128x128xf32, #tpu.memory_space<vmem>>)
      %dma_start3A_358 = arith.constant 0 : i32
      %dma_start3A_359 = tpu.memref_slice %arg8[%add3A_351, %dma_start3A_358] : memref<40x128xi32, #tpu.memory_space<vmem>> -> memref<1x128xi32, #tpu.memory_space<vmem>>
      %dma_start3A_360 = tpu.memref_squeeze %dma_start3A_359 : memref<1x128xi32, #tpu.memory_space<vmem>> -> memref<128xi32, #tpu.memory_space<vmem>>
      %dma_start3A_361 = arith.constant 0 : i32
      %dma_start3A_362 = arith.constant 0 : i32
      %dma_start3A_363 = tpu.memref_slice %arg11[%dma_start3A_361, %dma_start3A_362] : memref<10240x128xf32, #tpu.memory_space<vmem_shared>> -> memref<10240x128xf32, #tpu.memory_space<vmem_shared>>
      tpu.enqueue_indirect_dma source(%arg9 : memref<128x128xf32, #tpu.memory_space<vmem>>) target(%dma_start3A_363 : memref<10240x128xf32, #tpu.memory_space<vmem_shared>>) offsets(%dma_start3A_360 : memref<128xi32, #tpu.memory_space<vmem>>) semaphore(%arg14 : memref<!tpu.dma_semaphore, #tpu.memory_space<semaphore_mem>>) {add = true}
      %dma_wait3A_364 = arith.constant 0 : i32
      %dma_wait3A_365 = tpu.memref_slice %arg8[%add3A_351, %dma_wait3A_364] : memref<40x128xi32, #tpu.memory_space<vmem>> -> memref<1x128xi32, #tpu.memory_space<vmem>>
      %dma_wait3A_366 = tpu.memref_squeeze %dma_wait3A_365 : memref<1x128xi32, #tpu.memory_space<vmem>> -> memref<128xi32, #tpu.memory_space<vmem>>
      %dma_wait3A_367 = arith.constant 0 : i32
      %dma_wait3A_368 = arith.constant 0 : i32
      %dma_wait3A_369 = tpu.memref_slice %arg11[%dma_wait3A_367, %dma_wait3A_368] : memref<10240x128xf32, #tpu.memory_space<vmem_shared>> -> memref<10240x128xf32, #tpu.memory_space<vmem_shared>>
      tpu.wait_indirect_dma semaphore(%arg14 : memref<!tpu.dma_semaphore, #tpu.memory_space<semaphore_mem>>) src(%arg9 : memref<128x128xf32, #tpu.memory_space<vmem>>) dst(%dma_wait3A_369 : memref<10240x128xf32, #tpu.memory_space<vmem_shared>>)
      %add3A_370 = arith.constant 2 : i32
      %add3A_371 = arith.addi %add3A_351, %add3A_370 : i32
      %dma_start3A_372 = arith.constant 0 : i32
      %dma_start3A_373 = tpu.memref_slice %arg7[%add3A_371, %dma_start3A_372] : memref<40x128xi32, #tpu.memory_space<vmem>> -> memref<1x128xi32, #tpu.memory_space<vmem>>
      %dma_start3A_374 = tpu.memref_squeeze %dma_start3A_373 : memref<1x128xi32, #tpu.memory_space<vmem>> -> memref<128xi32, #tpu.memory_space<vmem>>
      %dma_start3A_375 = arith.constant 0 : i32
      %dma_start3A_376 = arith.constant 0 : i32
      %dma_start3A_377 = tpu.memref_slice %arg2[%dma_start3A_375, %dma_start3A_376] : memref<10240x128xf32, #tpu.memory_space<hbm>> -> memref<10240x128xf32, #tpu.memory_space<hbm>>
      tpu.enqueue_indirect_dma source(%dma_start3A_377 : memref<10240x128xf32, #tpu.memory_space<hbm>>) target(%arg9 : memref<128x128xf32, #tpu.memory_space<vmem>>) offsets(%dma_start3A_374 : memref<128xi32, #tpu.memory_space<vmem>>) semaphore(%arg12 : memref<!tpu.dma_semaphore, #tpu.memory_space<semaphore_mem>>)
      %add3A_378 = arith.constant 1 : i32
      %add3A_379 = arith.addi %add3A_349, %add3A_378 : i32
      %dma_wait3A_380 = arith.constant 0 : i32
      %dma_wait3A_381 = tpu.memref_slice %arg7[%add3A_379, %dma_wait3A_380] : memref<40x128xi32, #tpu.memory_space<vmem>> -> memref<1x128xi32, #tpu.memory_space<vmem>>
      %dma_wait3A_382 = tpu.memref_squeeze %dma_wait3A_381 : memref<1x128xi32, #tpu.memory_space<vmem>> -> memref<128xi32, #tpu.memory_space<vmem>>
      %dma_wait3A_383 = arith.constant 0 : i32
      %dma_wait3A_384 = arith.constant 0 : i32
      %dma_wait3A_385 = tpu.memref_slice %arg2[%dma_wait3A_383, %dma_wait3A_384] : memref<10240x128xf32, #tpu.memory_space<hbm>> -> memref<10240x128xf32, #tpu.memory_space<hbm>>
      tpu.wait_indirect_dma semaphore(%arg13 : memref<!tpu.dma_semaphore, #tpu.memory_space<semaphore_mem>>) src(%dma_wait3A_385 : memref<10240x128xf32, #tpu.memory_space<hbm>>) dst(%arg10 : memref<128x128xf32, #tpu.memory_space<vmem>>)
      %dma_start3A_386 = arith.constant 0 : i32
      %dma_start3A_387 = tpu.memref_slice %arg8[%add3A_379, %dma_start3A_386] : memref<40x128xi32, #tpu.memory_space<vmem>> -> memref<1x128xi32, #tpu.memory_space<vmem>>
      %dma_start3A_388 = tpu.memref_squeeze %dma_start3A_387 : memref<1x128xi32, #tpu.memory_space<vmem>> -> memref<128xi32, #tpu.memory_space<vmem>>
      %dma_start3A_389 = arith.constant 0 : i32
      %dma_start3A_390 = arith.constant 0 : i32
      %dma_start3A_391 = tpu.memref_slice %arg11[%dma_start3A_389, %dma_start3A_390] : memref<10240x128xf32, #tpu.memory_space<vmem_shared>> -> memref<10240x128xf32, #tpu.memory_space<vmem_shared>>
      tpu.enqueue_indirect_dma source(%arg10 : memref<128x128xf32, #tpu.memory_space<vmem>>) target(%dma_start3A_391 : memref<10240x128xf32, #tpu.memory_space<vmem_shared>>) offsets(%dma_start3A_388 : memref<128xi32, #tpu.memory_space<vmem>>) semaphore(%arg15 : memref<!tpu.dma_semaphore, #tpu.memory_space<semaphore_mem>>) {add = true}
      %dma_wait3A_392 = arith.constant 0 : i32
      %dma_wait3A_393 = tpu.memref_slice %arg8[%add3A_379, %dma_wait3A_392] : memref<40x128xi32, #tpu.memory_space<vmem>> -> memref<1x128xi32, #tpu.memory_space<vmem>>
      %dma_wait3A_394 = tpu.memref_squeeze %dma_wait3A_393 : memref<1x128xi32, #tpu.memory_space<vmem>> -> memref<128xi32, #tpu.memory_space<vmem>>
      %dma_wait3A_395 = arith.constant 0 : i32
      %dma_wait3A_396 = arith.constant 0 : i32
      %dma_wait3A_397 = tpu.memref_slice %arg11[%dma_wait3A_395, %dma_wait3A_396] : memref<10240x128xf32, #tpu.memory_space<vmem_shared>> -> memref<10240x128xf32, #tpu.memory_space<vmem_shared>>
      tpu.wait_indirect_dma semaphore(%arg15 : memref<!tpu.dma_semaphore, #tpu.memory_space<semaphore_mem>>) src(%arg10 : memref<128x128xf32, #tpu.memory_space<vmem>>) dst(%dma_wait3A_397 : memref<10240x128xf32, #tpu.memory_space<vmem_shared>>)
      %add3A_398 = arith.constant 2 : i32
      %add3A_399 = arith.addi %add3A_379, %add3A_398 : i32
      %dma_start3A_400 = arith.constant 0 : i32
      %dma_start3A_401 = tpu.memref_slice %arg7[%add3A_399, %dma_start3A_400] : memref<40x128xi32, #tpu.memory_space<vmem>> -> memref<1x128xi32, #tpu.memory_space<vmem>>
      %dma_start3A_402 = tpu.memref_squeeze %dma_start3A_401 : memref<1x128xi32, #tpu.memory_space<vmem>> -> memref<128xi32, #tpu.memory_space<vmem>>
      %dma_start3A_403 = arith.constant 0 : i32
      %dma_start3A_404 = arith.constant 0 : i32
      %dma_start3A_405 = tpu.memref_slice %arg2[%dma_start3A_403, %dma_start3A_404] : memref<10240x128xf32, #tpu.memory_space<hbm>> -> memref<10240x128xf32, #tpu.memory_space<hbm>>
      tpu.enqueue_indirect_dma source(%dma_start3A_405 : memref<10240x128xf32, #tpu.memory_space<hbm>>) target(%arg10 : memref<128x128xf32, #tpu.memory_space<vmem>>) offsets(%dma_start3A_402 : memref<128xi32, #tpu.memory_space<vmem>>) semaphore(%arg13 : memref<!tpu.dma_semaphore, #tpu.memory_space<semaphore_mem>>)
    }
    %scan3A_211 = arith.constant 19 : i32
    %dma_wait3A_212 = arith.constant 38 : i32
    %dma_wait3A_213 = arith.constant 0 : i32
    %dma_wait3A_214 = tpu.memref_slice %arg7[%dma_wait3A_212, %dma_wait3A_213] : memref<40x128xi32, #tpu.memory_space<vmem>> -> memref<1x128xi32, #tpu.memory_space<vmem>>
    %dma_wait3A_215 = tpu.memref_squeeze %dma_wait3A_214 : memref<1x128xi32, #tpu.memory_space<vmem>> -> memref<128xi32, #tpu.memory_space<vmem>>
    %dma_wait3A_216 = arith.constant 0 : i32
    %dma_wait3A_217 = arith.constant 0 : i32
    %dma_wait3A_218 = tpu.memref_slice %arg2[%dma_wait3A_216, %dma_wait3A_217] : memref<10240x128xf32, #tpu.memory_space<hbm>> -> memref<10240x128xf32, #tpu.memory_space<hbm>>
    tpu.wait_indirect_dma semaphore(%arg12 : memref<!tpu.dma_semaphore, #tpu.memory_space<semaphore_mem>>) src(%dma_wait3A_218 : memref<10240x128xf32, #tpu.memory_space<hbm>>) dst(%arg9 : memref<128x128xf32, #tpu.memory_space<vmem>>)
    %dma_start3A_219 = arith.constant 38 : i32
    %dma_start3A_220 = arith.constant 0 : i32
    %dma_start3A_221 = tpu.memref_slice %arg8[%dma_start3A_219, %dma_start3A_220] : memref<40x128xi32, #tpu.memory_space<vmem>> -> memref<1x128xi32, #tpu.memory_space<vmem>>
    %dma_start3A_222 = tpu.memref_squeeze %dma_start3A_221 : memref<1x128xi32, #tpu.memory_space<vmem>> -> memref<128xi32, #tpu.memory_space<vmem>>
    %dma_start3A_223 = arith.constant 0 : i32
    %dma_start3A_224 = arith.constant 0 : i32
    %dma_start3A_225 = tpu.memref_slice %arg11[%dma_start3A_223, %dma_start3A_224] : memref<10240x128xf32, #tpu.memory_space<vmem_shared>> -> memref<10240x128xf32, #tpu.memory_space<vmem_shared>>
    tpu.enqueue_indirect_dma source(%arg9 : memref<128x128xf32, #tpu.memory_space<vmem>>) target(%dma_start3A_225 : memref<10240x128xf32, #tpu.memory_space<vmem_shared>>) offsets(%dma_start3A_222 : memref<128xi32, #tpu.memory_space<vmem>>) semaphore(%arg14 : memref<!tpu.dma_semaphore, #tpu.memory_space<semaphore_mem>>) {add = true}
    %dma_wait3A_226 = arith.constant 39 : i32
    %dma_wait3A_227 = arith.constant 0 : i32
    %dma_wait3A_228 = tpu.memref_slice %arg7[%dma_wait3A_226, %dma_wait3A_227] : memref<40x128xi32, #tpu.memory_space<vmem>> -> memref<1x128xi32, #tpu.memory_space<vmem>>
    %dma_wait3A_229 = tpu.memref_squeeze %dma_wait3A_228 : memref<1x128xi32, #tpu.memory_space<vmem>> -> memref<128xi32, #tpu.memory_space<vmem>>
    %dma_wait3A_230 = arith.constant 0 : i32
    %dma_wait3A_231 = arith.constant 0 : i32
    %dma_wait3A_232 = tpu.memref_slice %arg2[%dma_wait3A_230, %dma_wait3A_231] : memref<10240x128xf32, #tpu.memory_space<hbm>> -> memref<10240x128xf32, #tpu.memory_space<hbm>>
    tpu.wait_indirect_dma semaphore(%arg13 : memref<!tpu.dma_semaphore, #tpu.memory_space<semaphore_mem>>) src(%dma_wait3A_232 : memref<10240x128xf32, #tpu.memory_space<hbm>>) dst(%arg10 : memref<128x128xf32, #tpu.memory_space<vmem>>)
    %dma_start3A_233 = arith.constant 39 : i32
    %dma_start3A_234 = arith.constant 0 : i32
    %dma_start3A_235 = tpu.memref_slice %arg8[%dma_start3A_233, %dma_start3A_234] : memref<40x128xi32, #tpu.memory_space<vmem>> -> memref<1x128xi32, #tpu.memory_space<vmem>>
    %dma_start3A_236 = tpu.memref_squeeze %dma_start3A_235 : memref<1x128xi32, #tpu.memory_space<vmem>> -> memref<128xi32, #tpu.memory_space<vmem>>
    %dma_start3A_237 = arith.constant 0 : i32
    %dma_start3A_238 = arith.constant 0 : i32
    %dma_start3A_239 = tpu.memref_slice %arg11[%dma_start3A_237, %dma_start3A_238] : memref<10240x128xf32, #tpu.memory_space<vmem_shared>> -> memref<10240x128xf32, #tpu.memory_space<vmem_shared>>
    tpu.enqueue_indirect_dma source(%arg10 : memref<128x128xf32, #tpu.memory_space<vmem>>) target(%dma_start3A_239 : memref<10240x128xf32, #tpu.memory_space<vmem_shared>>) offsets(%dma_start3A_236 : memref<128xi32, #tpu.memory_space<vmem>>) semaphore(%arg15 : memref<!tpu.dma_semaphore, #tpu.memory_space<semaphore_mem>>) {add = true}
    %dma_wait3A_240 = arith.constant 38 : i32
    %dma_wait3A_241 = arith.constant 0 : i32
    %dma_wait3A_242 = tpu.memref_slice %arg8[%dma_wait3A_240, %dma_wait3A_241] : memref<40x128xi32, #tpu.memory_space<vmem>> -> memref<1x128xi32, #tpu.memory_space<vmem>>
    %dma_wait3A_243 = tpu.memref_squeeze %dma_wait3A_242 : memref<1x128xi32, #tpu.memory_space<vmem>> -> memref<128xi32, #tpu.memory_space<vmem>>
    %dma_wait3A_244 = arith.constant 0 : i32
    %dma_wait3A_245 = arith.constant 0 : i32
    %dma_wait3A_246 = tpu.memref_slice %arg11[%dma_wait3A_244, %dma_wait3A_245] : memref<10240x128xf32, #tpu.memory_space<vmem_shared>> -> memref<10240x128xf32, #tpu.memory_space<vmem_shared>>
    tpu.wait_indirect_dma semaphore(%arg14 : memref<!tpu.dma_semaphore, #tpu.memory_space<semaphore_mem>>) src(%arg9 : memref<128x128xf32, #tpu.memory_space<vmem>>) dst(%dma_wait3A_246 : memref<10240x128xf32, #tpu.memory_space<vmem_shared>>)
    %dma_wait3A_247 = arith.constant 39 : i32
    %dma_wait3A_248 = arith.constant 0 : i32
    %dma_wait3A_249 = tpu.memref_slice %arg8[%dma_wait3A_247, %dma_wait3A_248] : memref<40x128xi32, #tpu.memory_space<vmem>> -> memref<1x128xi32, #tpu.memory_space<vmem>>
    %dma_wait3A_250 = tpu.memref_squeeze %dma_wait3A_249 : memref<1x128xi32, #tpu.memory_space<vmem>> -> memref<128xi32, #tpu.memory_space<vmem>>
    %dma_wait3A_251 = arith.constant 0 : i32
    %dma_wait3A_252 = arith.constant 0 : i32
    %dma_wait3A_253 = tpu.memref_slice %arg11[%dma_wait3A_251, %dma_wait3A_252] : memref<10240x128xf32, #tpu.memory_space<vmem_shared>> -> memref<10240x128xf32, #tpu.memory_space<vmem_shared>>
    tpu.wait_indirect_dma semaphore(%arg15 : memref<!tpu.dma_semaphore, #tpu.memory_space<semaphore_mem>>) src(%arg10 : memref<128x128xf32, #tpu.memory_space<vmem>>) dst(%dma_wait3A_253 : memref<10240x128xf32, #tpu.memory_space<vmem_shared>>)
    %barrier3A_254 = arith.constant 0 : index
    tpu.barrier barrier_id(%barrier3A_254)
    %mul3A_255 = arith.constant 640 : i32
    %mul3A_256 = arith.muli %arg1, %mul3A_255 : i32
    %add3A_257 = arith.constant 0 : i32
    %add3A_258 = arith.addi %mul3A_256, %add3A_257 : i32
    %dma_start3A_259 = arith.constant 0 : i32
    %dma_start3A_260 = tpu.memref_slice %arg6[%arg0, %add3A_258, %dma_start3A_259] : memref<2x10240x128xf32, #tpu.memory_space<hbm>> -> memref<1x128x128xf32, #tpu.memory_space<hbm>>
    %dma_start3A_261 = tpu.memref_squeeze %dma_start3A_260 : memref<1x128x128xf32, #tpu.memory_space<hbm>> -> memref<128x128xf32, #tpu.memory_space<hbm>>
    %dma_start3A_262 = arith.constant 0 : i32
    %dma_start3A_263 = tpu.memref_slice %arg11[%add3A_258, %dma_start3A_262] : memref<10240x128xf32, #tpu.memory_space<vmem_shared>> -> memref<128x128xf32, #tpu.memory_space<vmem_shared>>
    tpu.enqueue_dma source(%dma_start3A_263 : memref<128x128xf32, #tpu.memory_space<vmem_shared>>) target(%dma_start3A_261 : memref<128x128xf32, #tpu.memory_space<hbm>>) target_semaphore(%arg16 : memref<!tpu.dma_semaphore, #tpu.memory_space<semaphore_mem>>)
    %mul3A_264 = arith.constant 640 : i32
    %mul3A_265 = arith.muli %arg1, %mul3A_264 : i32
    %add3A_266 = arith.constant 128 : i32
    %add3A_267 = arith.addi %mul3A_265, %add3A_266 : i32
    %dma_start3A_268 = arith.constant 0 : i32
    %dma_start3A_269 = tpu.memref_slice %arg6[%arg0, %add3A_267, %dma_start3A_268] : memref<2x10240x128xf32, #tpu.memory_space<hbm>> -> memref<1x128x128xf32, #tpu.memory_space<hbm>>
    %dma_start3A_270 = tpu.memref_squeeze %dma_start3A_269 : memref<1x128x128xf32, #tpu.memory_space<hbm>> -> memref<128x128xf32, #tpu.memory_space<hbm>>
    %dma_start3A_271 = arith.constant 0 : i32
    %dma_start3A_272 = tpu.memref_slice %arg11[%add3A_267, %dma_start3A_271] : memref<10240x128xf32, #tpu.memory_space<vmem_shared>> -> memref<128x128xf32, #tpu.memory_space<vmem_shared>>
    tpu.enqueue_dma source(%dma_start3A_272 : memref<128x128xf32, #tpu.memory_space<vmem_shared>>) target(%dma_start3A_270 : memref<128x128xf32, #tpu.memory_space<hbm>>) target_semaphore(%arg16 : memref<!tpu.dma_semaphore, #tpu.memory_space<semaphore_mem>>)
    %mul3A_273 = arith.constant 640 : i32
    %mul3A_274 = arith.muli %arg1, %mul3A_273 : i32
    %add3A_275 = arith.constant 256 : i32
    %add3A_276 = arith.addi %mul3A_274, %add3A_275 : i32
    %dma_start3A_277 = arith.constant 0 : i32
    %dma_start3A_278 = tpu.memref_slice %arg6[%arg0, %add3A_276, %dma_start3A_277] : memref<2x10240x128xf32, #tpu.memory_space<hbm>> -> memref<1x128x128xf32, #tpu.memory_space<hbm>>
    %dma_start3A_279 = tpu.memref_squeeze %dma_start3A_278 : memref<1x128x128xf32, #tpu.memory_space<hbm>> -> memref<128x128xf32, #tpu.memory_space<hbm>>
    %dma_start3A_280 = arith.constant 0 : i32
    %dma_start3A_281 = tpu.memref_slice %arg11[%add3A_276, %dma_start3A_280] : memref<10240x128xf32, #tpu.memory_space<vmem_shared>> -> memref<128x128xf32, #tpu.memory_space<vmem_shared>>
    tpu.enqueue_dma source(%dma_start3A_281 : memref<128x128xf32, #tpu.memory_space<vmem_shared>>) target(%dma_start3A_279 : memref<128x128xf32, #tpu.memory_space<hbm>>) target_semaphore(%arg16 : memref<!tpu.dma_semaphore, #tpu.memory_space<semaphore_mem>>)
    %mul3A_282 = arith.constant 640 : i32
    %mul3A_283 = arith.muli %arg1, %mul3A_282 : i32
    %add3A_284 = arith.constant 384 : i32
    %add3A_285 = arith.addi %mul3A_283, %add3A_284 : i32
    %dma_start3A_286 = arith.constant 0 : i32
    %dma_start3A_287 = tpu.memref_slice %arg6[%arg0, %add3A_285, %dma_start3A_286] : memref<2x10240x128xf32, #tpu.memory_space<hbm>> -> memref<1x128x128xf32, #tpu.memory_space<hbm>>
    %dma_start3A_288 = tpu.memref_squeeze %dma_start3A_287 : memref<1x128x128xf32, #tpu.memory_space<hbm>> -> memref<128x128xf32, #tpu.memory_space<hbm>>
    %dma_start3A_289 = arith.constant 0 : i32
    %dma_start3A_290 = tpu.memref_slice %arg11[%add3A_285, %dma_start3A_289] : memref<10240x128xf32, #tpu.memory_space<vmem_shared>> -> memref<128x128xf32, #tpu.memory_space<vmem_shared>>
    tpu.enqueue_dma source(%dma_start3A_290 : memref<128x128xf32, #tpu.memory_space<vmem_shared>>) target(%dma_start3A_288 : memref<128x128xf32, #tpu.memory_space<hbm>>) target_semaphore(%arg16 : memref<!tpu.dma_semaphore, #tpu.memory_space<semaphore_mem>>)
    %mul3A_291 = arith.constant 640 : i32
    %mul3A_292 = arith.muli %arg1, %mul3A_291 : i32
    %add3A_293 = arith.constant 512 : i32
    %add3A_294 = arith.addi %mul3A_292, %add3A_293 : i32
    %dma_start3A_295 = arith.constant 0 : i32
    %dma_start3A_296 = tpu.memref_slice %arg6[%arg0, %add3A_294, %dma_start3A_295] : memref<2x10240x128xf32, #tpu.memory_space<hbm>> -> memref<1x128x128xf32, #tpu.memory_space<hbm>>
    %dma_start3A_297 = tpu.memref_squeeze %dma_start3A_296 : memref<1x128x128xf32, #tpu.memory_space<hbm>> -> memref<128x128xf32, #tpu.memory_space<hbm>>
    %dma_start3A_298 = arith.constant 0 : i32
    %dma_start3A_299 = tpu.memref_slice %arg11[%add3A_294, %dma_start3A_298] : memref<10240x128xf32, #tpu.memory_space<vmem_shared>> -> memref<128x128xf32, #tpu.memory_space<vmem_shared>>
    tpu.enqueue_dma source(%dma_start3A_299 : memref<128x128xf32, #tpu.memory_space<vmem_shared>>) target(%dma_start3A_297 : memref<128x128xf32, #tpu.memory_space<hbm>>) target_semaphore(%arg16 : memref<!tpu.dma_semaphore, #tpu.memory_space<semaphore_mem>>)
    %mul3A_300 = arith.constant 640 : i32
    %mul3A_301 = arith.muli %arg1, %mul3A_300 : i32
    %add3A_302 = arith.constant 0 : i32
    %add3A_303 = arith.addi %mul3A_301, %add3A_302 : i32
    %dma_wait3A_304 = arith.constant 0 : i32
    %dma_wait3A_305 = tpu.memref_slice %arg6[%arg0, %add3A_303, %dma_wait3A_304] : memref<2x10240x128xf32, #tpu.memory_space<hbm>> -> memref<1x128x128xf32, #tpu.memory_space<hbm>>
    %dma_wait3A_306 = tpu.memref_squeeze %dma_wait3A_305 : memref<1x128x128xf32, #tpu.memory_space<hbm>> -> memref<128x128xf32, #tpu.memory_space<hbm>>
    %dma_wait3A_307 = arith.constant 0 : i32
    %dma_wait3A_308 = tpu.memref_slice %arg11[%add3A_303, %dma_wait3A_307] : memref<10240x128xf32, #tpu.memory_space<vmem_shared>> -> memref<128x128xf32, #tpu.memory_space<vmem_shared>>
    tpu.wait_dma2 semaphore(%arg16 : memref<!tpu.dma_semaphore, #tpu.memory_space<semaphore_mem>>) src(%dma_wait3A_308 : memref<128x128xf32, #tpu.memory_space<vmem_shared>>) dst(%dma_wait3A_306 : memref<128x128xf32, #tpu.memory_space<hbm>>)
    %mul3A_309 = arith.constant 640 : i32
    %mul3A_310 = arith.muli %arg1, %mul3A_309 : i32
    %add3A_311 = arith.constant 128 : i32
    %add3A_312 = arith.addi %mul3A_310, %add3A_311 : i32
    %dma_wait3A_313 = arith.constant 0 : i32
    %dma_wait3A_314 = tpu.memref_slice %arg6[%arg0, %add3A_312, %dma_wait3A_313] : memref<2x10240x128xf32, #tpu.memory_space<hbm>> -> memref<1x128x128xf32, #tpu.memory_space<hbm>>
    %dma_wait3A_315 = tpu.memref_squeeze %dma_wait3A_314 : memref<1x128x128xf32, #tpu.memory_space<hbm>> -> memref<128x128xf32, #tpu.memory_space<hbm>>
    %dma_wait3A_316 = arith.constant 0 : i32
    %dma_wait3A_317 = tpu.memref_slice %arg11[%add3A_312, %dma_wait3A_316] : memref<10240x128xf32, #tpu.memory_space<vmem_shared>> -> memref<128x128xf32, #tpu.memory_space<vmem_shared>>
    tpu.wait_dma2 semaphore(%arg16 : memref<!tpu.dma_semaphore, #tpu.memory_space<semaphore_mem>>) src(%dma_wait3A_317 : memref<128x128xf32, #tpu.memory_space<vmem_shared>>) dst(%dma_wait3A_315 : memref<128x128xf32, #tpu.memory_space<hbm>>)
    %mul3A_318 = arith.constant 640 : i32
    %mul3A_319 = arith.muli %arg1, %mul3A_318 : i32
    %add3A_320 = arith.constant 256 : i32
    %add3A_321 = arith.addi %mul3A_319, %add3A_320 : i32
    %dma_wait3A_322 = arith.constant 0 : i32
    %dma_wait3A_323 = tpu.memref_slice %arg6[%arg0, %add3A_321, %dma_wait3A_322] : memref<2x10240x128xf32, #tpu.memory_space<hbm>> -> memref<1x128x128xf32, #tpu.memory_space<hbm>>
    %dma_wait3A_324 = tpu.memref_squeeze %dma_wait3A_323 : memref<1x128x128xf32, #tpu.memory_space<hbm>> -> memref<128x128xf32, #tpu.memory_space<hbm>>
    %dma_wait3A_325 = arith.constant 0 : i32
    %dma_wait3A_326 = tpu.memref_slice %arg11[%add3A_321, %dma_wait3A_325] : memref<10240x128xf32, #tpu.memory_space<vmem_shared>> -> memref<128x128xf32, #tpu.memory_space<vmem_shared>>
    tpu.wait_dma2 semaphore(%arg16 : memref<!tpu.dma_semaphore, #tpu.memory_space<semaphore_mem>>) src(%dma_wait3A_326 : memref<128x128xf32, #tpu.memory_space<vmem_shared>>) dst(%dma_wait3A_324 : memref<128x128xf32, #tpu.memory_space<hbm>>)
    %mul3A_327 = arith.constant 640 : i32
    %mul3A_328 = arith.muli %arg1, %mul3A_327 : i32
    %add3A_329 = arith.constant 384 : i32
    %add3A_330 = arith.addi %mul3A_328, %add3A_329 : i32
    %dma_wait3A_331 = arith.constant 0 : i32
    %dma_wait3A_332 = tpu.memref_slice %arg6[%arg0, %add3A_330, %dma_wait3A_331] : memref<2x10240x128xf32, #tpu.memory_space<hbm>> -> memref<1x128x128xf32, #tpu.memory_space<hbm>>
    %dma_wait3A_333 = tpu.memref_squeeze %dma_wait3A_332 : memref<1x128x128xf32, #tpu.memory_space<hbm>> -> memref<128x128xf32, #tpu.memory_space<hbm>>
    %dma_wait3A_334 = arith.constant 0 : i32
    %dma_wait3A_335 = tpu.memref_slice %arg11[%add3A_330, %dma_wait3A_334] : memref<10240x128xf32, #tpu.memory_space<vmem_shared>> -> memref<128x128xf32, #tpu.memory_space<vmem_shared>>
    tpu.wait_dma2 semaphore(%arg16 : memref<!tpu.dma_semaphore, #tpu.memory_space<semaphore_mem>>) src(%dma_wait3A_335 : memref<128x128xf32, #tpu.memory_space<vmem_shared>>) dst(%dma_wait3A_333 : memref<128x128xf32, #tpu.memory_space<hbm>>)
    %mul3A_336 = arith.constant 640 : i32
    %mul3A_337 = arith.muli %arg1, %mul3A_336 : i32
    %add3A_338 = arith.constant 512 : i32
    %add3A_339 = arith.addi %mul3A_337, %add3A_338 : i32
    %dma_wait3A_340 = arith.constant 0 : i32
    %dma_wait3A_341 = tpu.memref_slice %arg6[%arg0, %add3A_339, %dma_wait3A_340] : memref<2x10240x128xf32, #tpu.memory_space<hbm>> -> memref<1x128x128xf32, #tpu.memory_space<hbm>>
    %dma_wait3A_342 = tpu.memref_squeeze %dma_wait3A_341 : memref<1x128x128xf32, #tpu.memory_space<hbm>> -> memref<128x128xf32, #tpu.memory_space<hbm>>
    %dma_wait3A_343 = arith.constant 0 : i32
    %dma_wait3A_344 = tpu.memref_slice %arg11[%add3A_339, %dma_wait3A_343] : memref<10240x128xf32, #tpu.memory_space<vmem_shared>> -> memref<128x128xf32, #tpu.memory_space<vmem_shared>>
    tpu.wait_dma2 semaphore(%arg16 : memref<!tpu.dma_semaphore, #tpu.memory_space<semaphore_mem>>) src(%dma_wait3A_344 : memref<128x128xf32, #tpu.memory_space<vmem_shared>>) dst(%dma_wait3A_342 : memref<128x128xf32, #tpu.memory_space<hbm>>)
    return
  }
}

module attributes {stable_mosaic.version = 14 : i64} {
  func.func @_mm_body(%arg0: i32, %arg1: memref<512x128xf32, #tpu.memory_space<vmem>>, %arg2: memref<128x128xf32, #tpu.memory_space<vmem>>, %arg3: memref<512x2xf32, #tpu.memory_space<vmem>>, %arg4: memref<512x128xf32, #tpu.memory_space<vmem>>) attributes {dimension_semantics = [#tpu.dimension_semantics<arbitrary>], iteration_bounds = array<i64: 20>, scalar_prefetch = 0 : i64, scratch_operands = 0 : i64, tpu.core_type = #tpu.core_type<tc>, window_params = [{transform_indices = @transform_0, window_bounds = array<i64: 512, 128>}, {pipeline_mode = #tpu.pipeline_mode<synchronous>, transform_indices = @transform_1, window_bounds = array<i64: 128, 128>}, {transform_indices = @transform_2, window_bounds = array<i64: 512, 2>}, {transform_indices = @transform_3, window_bounds = array<i64: 512, 128>}]} {
    %get3A = arith.constant 0 : index
    %get3A_0 = arith.constant 0 : index
    %get3A_1 = vector.load %arg3[%get3A, %get3A_0] : memref<512x2xf32, #tpu.memory_space<vmem>>, vector<512x1xf32>
    %get3A_2 = arith.constant 0 : index
    %get3A_3 = arith.constant 1 : index
    %get3A_4 = vector.load %arg3[%get3A_2, %get3A_3] : memref<512x2xf32, #tpu.memory_space<vmem>>, vector<512x1xf32>
    %add3A = arith.addf %get3A_1, %get3A_4 : vector<512x1xf32>
    %add3A_5 = arith.constant 1.000000e+00 : f32
    %add3A_6 = vector.broadcast %add3A_5 : f32 to vector<512x1xf32>
    %add3A_7 = arith.addf %add3A, %add3A_6 : vector<512x1xf32>
    %rsqrt3A = math.rsqrt %add3A_7 : vector<512x1xf32>
    %get3A_8 = arith.constant 0 : index
    %get3A_9 = arith.constant 0 : index
    %get3A_10 = vector.load %arg1[%get3A_8, %get3A_9] : memref<512x128xf32, #tpu.memory_space<vmem>>, vector<512x128xf32>
    %get3A_11 = arith.constant 0 : index
    %get3A_12 = arith.constant 0 : index
    %get3A_13 = vector.load %arg2[%get3A_11, %get3A_12] : memref<128x128xf32, #tpu.memory_space<vmem>>, vector<128x128xf32>
    %dot_general3A = arith.constant dense<0.000000e+00> : vector<512x128xf32>
    %dot_general3A_14 = tpu.matmul %get3A_10, %get3A_13, %dot_general3A {dimension_numbers = #tpu.dot_dimension_numbers<[1], [0], [0], [1], [0, 0, 1, 1], [], []>, transpose_lhs_hint = false} : vector<512x128xf32>, vector<128x128xf32>, vector<512x128xf32> -> vector<512x128xf32>
    %mul3A = vector.broadcast %rsqrt3A : vector<512x1xf32> to vector<512x128xf32>
    %mul3A_15 = arith.mulf %mul3A, %dot_general3A_14 : vector<512x128xf32>
    %swap3A = arith.constant 0 : index
    %swap3A_16 = arith.constant 0 : index
    %swap3A_17 = vector.load %arg4[%swap3A, %swap3A_16] : memref<512x128xf32, #tpu.memory_space<vmem>>, vector<512x128xf32>
    tpu.vector_store %arg4[%swap3A, %swap3A_16], %mul3A_15 {strides = array<i32>} : memref<512x128xf32, #tpu.memory_space<vmem>>, vector<512x128xf32>,
    return
  }
  func.func @transform_0(%arg0: i32) -> (i32, i32) {
    %c0_i32 = arith.constant 0 : i32
    %c0_i32_0 = arith.constant 0 : i32
    return %arg0, %c0_i32 : i32, i32
  }
  func.func @transform_1(%arg0: i32) -> (i32, i32) {
    %c0_i32 = arith.constant 0 : i32
    %c0_i32_0 = arith.constant 0 : i32
    %c0_i32_1 = arith.constant 0 : i32
    return %c0_i32, %c0_i32_0 : i32, i32
  }
  func.func @transform_2(%arg0: i32) -> (i32, i32) {
    %c0_i32 = arith.constant 0 : i32
    %c0_i32_0 = arith.constant 0 : i32
    return %arg0, %c0_i32 : i32, i32
  }
  func.func @transform_3(%arg0: i32) -> (i32, i32) {
    %c0_i32 = arith.constant 0 : i32
    %c0_i32_0 = arith.constant 0 : i32
    return %arg0, %c0_i32 : i32, i32
  }
}

module attributes {stable_mosaic.version = 14 : i64} {
  func.func @_ep_body(%arg0: i32, %arg1: memref<2x400x128xf32, #tpu.memory_space<vmem>>, %arg2: memref<400x128xf32, #tpu.memory_space<vmem>>, %arg3: memref<400x2xf32, #tpu.memory_space<vmem>>, %arg4: memref<1x128xf32, #tpu.memory_space<vmem>>, %arg5: memref<400x128xf32, #tpu.memory_space<vmem>>) attributes {dimension_semantics = [#tpu.dimension_semantics<arbitrary>], iteration_bounds = array<i64: 25>, scalar_prefetch = 0 : i64, scratch_operands = 0 : i64, tpu.core_type = #tpu.core_type<tc>, window_params = [{transform_indices = @transform_0, window_bounds = array<i64: 2, 400, 128>}, {transform_indices = @transform_1, window_bounds = array<i64: 400, 128>}, {transform_indices = @transform_2, window_bounds = array<i64: 400, 2>}, {pipeline_mode = #tpu.pipeline_mode<synchronous>, transform_indices = @transform_3, window_bounds = array<i64: 1, 128>}, {transform_indices = @transform_4, window_bounds = array<i64: 400, 128>}]} {
    %get3A = arith.constant 0 : index
    %get3A_0 = arith.constant 0 : index
    %get3A_1 = vector.load %arg3[%get3A, %get3A_0] : memref<400x2xf32, #tpu.memory_space<vmem>>, vector<400x1xf32>
    %get3A_2 = arith.constant 0 : index
    %get3A_3 = arith.constant 1 : index
    %get3A_4 = vector.load %arg3[%get3A_2, %get3A_3] : memref<400x2xf32, #tpu.memory_space<vmem>>, vector<400x1xf32>
    %add3A = arith.addf %get3A_1, %get3A_4 : vector<400x1xf32>
    %add3A_5 = arith.constant 1.000000e+00 : f32
    %add3A_6 = vector.broadcast %add3A_5 : f32 to vector<400x1xf32>
    %add3A_7 = arith.addf %add3A, %add3A_6 : vector<400x1xf32>
    %get3A_8 = arith.constant 0 : index
    %get3A_9 = arith.constant 0 : index
    %get3A_10 = arith.constant 0 : index
    %get3A_11 = vector.load %arg1[%get3A_8, %get3A_9, %get3A_10] : memref<2x400x128xf32, #tpu.memory_space<vmem>>, vector<1x400x128xf32>
    %get3A_12 = vector.shape_cast %get3A_11 : vector<1x400x128xf32> to vector<400x128xf32>
    %get3A_13 = arith.constant 1 : index
    %get3A_14 = arith.constant 0 : index
    %get3A_15 = arith.constant 0 : index
    %get3A_16 = vector.load %arg1[%get3A_13, %get3A_14, %get3A_15] : memref<2x400x128xf32, #tpu.memory_space<vmem>>, vector<1x400x128xf32>
    %get3A_17 = vector.shape_cast %get3A_16 : vector<1x400x128xf32> to vector<400x128xf32>
    %add3A_18 = arith.addf %get3A_12, %get3A_17 : vector<400x128xf32>
    %get3A_19 = arith.constant 0 : index
    %get3A_20 = arith.constant 0 : index
    %get3A_21 = vector.load %arg2[%get3A_19, %get3A_20] : memref<400x128xf32, #tpu.memory_space<vmem>>, vector<400x128xf32>
    %add3A_22 = arith.addf %add3A_18, %get3A_21 : vector<400x128xf32>
    %rsqrt3A = math.rsqrt %add3A_7 : vector<400x1xf32>
    %mul3A = vector.broadcast %rsqrt3A : vector<400x1xf32> to vector<400x128xf32>
    %mul3A_23 = arith.mulf %mul3A, %add3A_22 : vector<400x128xf32>
    %get3A_24 = arith.constant 0 : index
    %get3A_25 = arith.constant 0 : index
    %get3A_26 = vector.load %arg4[%get3A_24, %get3A_25] : memref<1x128xf32, #tpu.memory_space<vmem>>, vector<1x128xf32>
    %add3A_27 = vector.broadcast %get3A_26 : vector<1x128xf32> to vector<400x128xf32>
    %add3A_28 = arith.addf %mul3A_23, %add3A_27 : vector<400x128xf32>
    %swap3A = arith.constant 0 : index
    %swap3A_29 = arith.constant 0 : index
    %swap3A_30 = vector.load %arg5[%swap3A, %swap3A_29] : memref<400x128xf32, #tpu.memory_space<vmem>>, vector<400x128xf32>
    tpu.vector_store %arg5[%swap3A, %swap3A_29], %add3A_28 {strides = array<i32>} : memref<400x128xf32, #tpu.memory_space<vmem>>, vector<400x128xf32>,
    return
  }
  func.func @transform_0(%arg0: i32) -> (i32, i32, i32) {
    %c0_i32 = arith.constant 0 : i32
    %c0_i32_0 = arith.constant 0 : i32
    %c0_i32_1 = arith.constant 0 : i32
    return %c0_i32, %arg0, %c0_i32_0 : i32, i32, i32
  }
  func.func @transform_1(%arg0: i32) -> (i32, i32) {
    %c0_i32 = arith.constant 0 : i32
    %c0_i32_0 = arith.constant 0 : i32
    return %arg0, %c0_i32 : i32, i32
  }
  func.func @transform_2(%arg0: i32) -> (i32, i32) {
    %c0_i32 = arith.constant 0 : i32
    %c0_i32_0 = arith.constant 0 : i32
    return %arg0, %c0_i32 : i32, i32
  }
  func.func @transform_3(%arg0: i32) -> (i32, i32) {
    %c0_i32 = arith.constant 0 : i32
    %c0_i32_0 = arith.constant 0 : i32
    %c0_i32_1 = arith.constant 0 : i32
    return %c0_i32, %c0_i32_0 : i32, i32
  }
  func.func @transform_4(%arg0: i32) -> (i32, i32) {
    %c0_i32 = arith.constant 0 : i32
    %c0_i32_0 = arith.constant 0 : i32
    return %arg0, %c0_i32 : i32, i32
  }
}

</mosaic_0001>

<sc_bundles>
// kernel: kernel.6.cloned.1.call-start
scs
__scs_entry_jumppad:
0x0: {  	(pc) =	sbr.rel $0x88, $3  }
0x1: {  	(tag) =	ssettag $0x0;
	lr =	simm.s32 $0x1  }
0x2: {  	[smem:$0x3F9D] =	sst lr;
	_ =	strace $0xD0000000  }
0x3: {  	_ = 	snop  }
0x4: {  	_ = 	snop  }
0x5: {  	_ = 	snop  }
0x6: {  	_ = 	snop  }
0x7: {  	_ = 	snop  }
__scs_overlays_trampoline_lowered:
0x8: {  	[smem:$0x3FAC] =	sst s0  }
0x9: {  	[smem:$0x3FAD] =	sst s1  }
0xa: {  	[smem:$0x3FAE] =	sst s2  }
0xb: {  	[smem:$0x3FAF] =	sst s3  }
0xc: {  	[smem:$0x3FB0] =	sst s4  }
0xd: {  	[smem:$0x3FB1] =	sst s5  }
0xe: {  	[smem:$0x3FB2] =	sst s6  }
0xf: {  	[smem:$0x3FB3] =	sst s7  }
0x10: {  	[smem:$0x3FB4] =	sst s8  }
0x11: {  	[smem:$0x3FB5] =	sst s9;
	s0 =	simm.s32 @!p0 $0x0  }
0x12: {  	s1 =	sld [smem:$0x3F9B];
	s0 =	simm.s32 @p0 $0x1  }
0x13: {  	[smem:$0x3FB6] =	sst s0;
	s0 =	simm.s32 @!p1 $0x0  }
0x14: {  	s2 =	sld [smem:$0x3F9A];
	s0 =	simm.s32 @p1 $0x1  }
0x15: {  	[smem:$0x3FB7] =	sst s0;
	s0 =	simm.s32 @!p2 $0x0  }
0x16: {  	s3 =	sld [smem:$0x3FDB];
	s0 =	simm.s32 @p2 $0x1  }
0x17: {  	s4 =	simm.s32 $0x1BF5;
	[smem:$0x3FB9] =	sst s0  }
0x18: {  	s0 =	sld [smem:$0x3F9C];
	_ =	swait.ge [sflag:s4], $0x0  }
0x19: {  	s7 =	sld [smem:$0x3F9D]  }
0x1a: {  	s8 =	sadd.s32 $0xFFFFE003, lr  }
0x1b: {  	s9 =	sadd.s32 $0xFFFFFEF7, lr;
	s5 =	simm.s32 $0xFFFFFFFF;
	p2 =	slt.u32 s8, $0xFFFFF086  }
0x1c: {  	p1 =	slt.u32 s9, $0xF7A;
	s5 =	simm.s32 @!p2 $0x0  }
0x1d: {  	s5 =	simm.s32 @p1 $0x1;
	p0 =	seq.s32 s7, s2  }
0x1e: {  	s7 =	smul.u32 @!p0 $0xF7A, s2;
	p2 =	seq.s32 @!p0 s5, $0x0  }
0x1f: {  	s9 =	smul.u32 $0xF7A, s1;
	s8 =	simm.s32 @!p0 $0x1BF5;
	p2 =	por !p2, p0  }
0x20: {  	[sflag:s8] =	ssyncset.s32 @!p0 $0xFFFFF086;
	s6 =	sadd.s32 @!p0 s3, s7;
	s7 =	simm.s32 @!p0 $0x108  }
0x21: {  	s3 =	sadd.s32 s3, s9;
	s6 =	sadd.s32 @!p0 $0x88, s6;
	s7 =	simm.s32 @p2 $0x1082  }
0x22: {  	[simem:s7], [sflag:s8] =	dma.local @!p0 [hbm:s6], $0xF7A  }
0x23: {  	s9 =	sor.u32 $0xD0000000, s2;
	s6 =	simm.s32 $0x108;
	_ =	swait.ge @!p0 [sflag:s8], $0x0  }
0x24: {  	s3 =	sadd.s32 $0x88, s3;
	s6 =	simm.s32 @!p1 $0x1082;
	[sflag:s4] =	ssyncset.s32 $0xFFFFF086  }
0x25: {  	[simem:s6], [sflag:s4] =	dma.local [hbm:s3], $0xF7A  }
0x26: {  	[smem:$0x3F9D] =	sst s1;
	(tag) =	ssettag s2;
	_ =	strace s9  }
0x27: {  	s1 =	sld [smem:$0x3FAD]  }
0x28: {  	s2 =	sld [smem:$0x3FAE]  }
0x29: {  	s4 =	sld [smem:$0x3FB0]  }
0x2a: {  	p0 =	seq.s32 s5, $0x0;
	s5 =	sld [smem:$0x3FB1]  }
0x2b: {  	s6 =	sld [smem:$0x3FB2]  }
0x2c: {  	s7 =	sld [smem:$0x3FB3]  }
0x2d: {  	s3 =	simm.s32 $0x108;
	s8 =	sld [smem:$0x3FB4]  }
0x2e: {  	s3 =	simm.s32 @!p0 $0x1082;
	s9 =	sld [smem:$0x3FB5]  }
0x2f: {  	lr =	sadd.s32 s0, s3;
	s0 =	sld [smem:$0x3FAC]  }
0x30: {  	s3 =	sld [smem:$0x3FAF]  }
0x31: {  	[smem:$0x3FB8] =	sst s10  }
0x32: {  	s10 =	sld [smem:$0x3FB6];
	_ =	sdelay $0x3  }
0x33: {  	p0 =	seq.s32 s10, $0x1;
	s10 =	sld [smem:$0x3FB8];
	_ =	sdelay $0x3  }
0x34: {  	[smem:$0x3FB8] =	sst s10  }
0x35: {  	s10 =	sld [smem:$0x3FB7];
	_ =	sdelay $0x3  }
0x36: {  	p1 =	seq.s32 s10, $0x1;
	s10 =	sld [smem:$0x3FB8];
	_ =	sdelay $0x3  }
0x37: {  	[smem:$0x3FB8] =	sst s10  }
0x38: {  	s10 =	sld [smem:$0x3FB9]  }
0x39: {  	_ = 	snop;
	(pc) =	sbr.ind lr, $3  }
0x3a: {  	_ = 	snop  }
0x3b: {  	_ = 	snop  }
0x3c: {  	p2 =	seq.s32 s10, $0x1;
	s10 =	sld [smem:$0x3FB8]  }
0x3d: {  	_ =	shalt  }
0x3e: {  	_ =	shalt  }
0x3f: {  	_ =	shalt  }
0x40: {  	_ =	shalt  }
0x41: {  	_ =	shalt  }
0x42: {  	_ =	shalt  }
0x43: {  	_ =	shalt  }
0x44: {  	_ =	shalt  }
0x45: {  	_ =	shalt  }
0x46: {  	_ =	shalt  }
0x47: {  	_ =	shalt  }
0x48: {  	_ =	shalt  }
0x49: {  	_ =	shalt  }
0x4a: {  	_ =	shalt  }
0x4b: {  	_ =	shalt  }
0x4c: {  	_ =	shalt  }
0x4d: {  	_ =	shalt  }
0x4e: {  	_ =	shalt  }
0x4f: {  	_ =	shalt  }
0x50: {  	_ =	shalt  }
0x51: {  	_ =	shalt  }
0x52: {  	_ =	shalt  }
0x53: {  	_ =	shalt  }
0x54: {  	_ =	shalt  }
0x55: {  	_ =	shalt  }
0x56: {  	_ =	shalt  }
0x57: {  	_ =	shalt  }
0x58: {  	_ =	shalt  }
0x59: {  	_ =	shalt  }
0x5a: {  	_ =	shalt  }
0x5b: {  	_ =	shalt  }
0x5c: {  	_ =	shalt  }
0x5d: {  	_ =	shalt  }
0x5e: {  	_ =	shalt  }
0x5f: {  	_ =	shalt  }
0x60: {  	_ =	shalt  }
0x61: {  	_ =	shalt  }
0x62: {  	_ =	shalt  }
0x63: {  	_ =	shalt  }
0x64: {  	_ =	shalt  }
0x65: {  	_ =	shalt  }
0x66: {  	_ =	shalt  }
0x67: {  	_ =	shalt  }
0x68: {  	_ =	shalt  }
0x69: {  	_ =	shalt  }
0x6a: {  	_ =	shalt  }
0x6b: {  	_ =	shalt  }
0x6c: {  	_ =	shalt  }
0x6d: {  	_ =	shalt  }
0x6e: {  	_ =	shalt  }
0x6f: {  	_ =	shalt  }
0x70: {  	_ =	shalt  }
0x71: {  	_ =	shalt  }
0x72: {  	_ =	shalt  }
0x73: {  	_ =	shalt  }
0x74: {  	_ =	shalt  }
0x75: {  	_ =	shalt  }
0x76: {  	_ =	shalt  }
0x77: {  	_ =	shalt  }
0x78: {  	_ =	shalt  }
0x79: {  	_ =	shalt  }
0x7a: {  	_ =	shalt  }
0x7b: {  	_ =	shalt  }
0x7c: {  	_ =	shalt  }
0x7d: {  	_ =	shalt  }
0x7e: {  	_ =	shalt  }
0x7f: {  	_ =	shalt  }
0x80: {  	_ =	shalt  }
0x81: {  	_ =	shalt  }
0x82: {  	_ =	shalt  }
0x83: {  	_ =	shalt  }
0x84: {  	_ =	shalt  }
0x85: {  	_ =	shalt  }
0x86: {  	_ =	shalt  }
0x87: {  	_ =	shalt  }
.Lfunc_end0:
.L_simem_size_0:
called_computation_lowered:
.L_overlay_start_0:
0x88: {  	s2 =	sld [smem:$0x3FD9]  }
0x89: {  	s3 =	sld [smem:$0x3FFE];
	_ =	sdelay $0x1  }
0x8a: {  	s1 =	srdreg.scid  }
0x8b: {  	s0 =	sand.u32 $0x1, s1  }
0x8c: {  	s16 =	sshll.u32 s0, $0xA;
	s2 =	sadd.s32 s3, s2  }
0x8d: {  	s2 =	sadd.s32 s2, s16  }
0x8e: {  	[smem:$0x3FC4] =	sst s2  }
0x8f: {  	_ = 	snop  }
0x90: {  	(tm) =	ssettm $0x1  }
0x91: {  	s17 =	sld [smem:$0x3FFB];
	_ =	sdelay $0x3  }
0x92: {  	_ =	strace s17  }
0x93: {  	s2 =	sld [smem:$0x3FFC];
	_ =	sdelay $0x3  }
0x94: {  	_ =	strace s2  }
0x95: {  	s2 =	sld [smem:$0x3FFD];
	_ =	sdelay $0x3  }
0x96: {  	_ =	strace s2  }
0x97: {  	_ =	strace $0x8FFFFFFF  }
0x98: {  	s18 =	sld [smem:$0x3FDB];
	_ =	sdelay $0x1  }
0x99: {  	s19 =	simm.s32 $_scs_section_size  }
0x9a: {  	s4 =	simm.s32 $_size__tile_overlayer_lowered;
	s5 =	simm.s32 $_tile_overlayer_lowered  }
0x9b: {  	s22 =	simm.s32 $0x1BFF;
	s21 =	sshll.u32 s5, $0x1;
	s2 =	sadd.s32 s19, s18  }
0x9c: {  	s6 =	simm.s32 $0x0;
	s20 =	sshll.u32 s4, $0x1;
	s4 =	sadd.s32 s21, s2  }
0x9d: {  	[timem:s6], [sflag:s22] =	dma.local [hbm:s4], s20  }
0x9e: {  	_ =	swait.ge [sflag:s22], s20  }
0x9f: {  	s3 =	ssub.s32 $0x0, s20;
	[sflag:s22] =	ssyncset.done $0x0  }
0xa0: {  	[sflag:s22] =	ssyncadd.s32 s3;
	_ =	sdelay $0x1  }
0xa1: {  	s23 =	simm.s32 $0x1B8B  }
0xa2: {  	_ =	swait.ge [sflag:s23], $0x1  }
0xa3: {  	[sflag:s23] =	ssyncset.done $0x0  }
0xa4: {  	s25 =	simm.s32 $0x1B8E;
	s24 =	sld [smem:$0x3FFE];
	[sflag:s23] =	ssyncadd.s32 $0xFFFFFFFF  }
0xa5: {  	s26 =	simm.s32 $execute0_lowered;
	[smem:$0x3FD2] =	sst s25  }
0xa6: {  	s4 =	sshll.u32 s26, $0x1;
	_ =	strace $0x80000046;
	[dreg:$0x1] =	wrdreg $0xFFFFFFFF  }
0xa7: {  	s28 =	simm.s32 $_size_execute0_lowered;
	s2 =	sadd.s32 s2, s4;
	[dreg:$0x0] =	wrdreg $0x0  }
0xa8: {  	s4 =	sshll.u32 s28, $0x1;
	[dreg:$0x2] =	wrdreg s2  }
0xa9: {  	[dreg:$0x3] =	wrdreg s4  }
0xaa: {  	[dreg:$0x4] =	wrdreg $0xC0  }
0xab: {  	_ =	task [dreg:s6], $0x5FFFF  }
0xac: {  	[dreg:$0x1] =	wrdreg $0xFFFFFFFF  }
0xad: {  	[dreg:$0x0] =	wrdreg $0x60  }
0xae: {  	[dreg:$0x2] =	wrdreg s24  }
0xaf: {  	[dreg:$0x3] =	wrdreg $0x28800  }
0xb0: {  	[dreg:$0x4] =	wrdreg $0x9  }
0xb1: {  	_ =	task.clear_ibuf [dreg:s6], $0x5FFFF;
	_ =	strace $0x90000046  }
0xb2: {  	s29 =	simm.s32 $0x9;
	_ =	strace $0x80000048  }
0xb3: {  	_ =	swait.ge [sflag:s29], $0x1  }
0xb4: {  	[sflag:s29] =	ssyncadd.s32 $0xFFFFFFFF  }
0xb5: {  	_ =	strace $0x90000048  }
0xb6: {  	_ =	sfence  }
0xb7: {  	s30 =	sld [smem:$0x0];
	_ =	sdelay $0x2  }
0xb8: {  	s31 =	sshll.u32 s1, $0xD;
	s1 =	sshrl.u32 s1, $0x2  }
0xb9: {  	s3 =	sand.u32 $0x4000, s31;
	s1 =	sadd.s32 s1, s30  }
0xba: {  	s0 =	sor.u32 s3, s0;
	s1 =	sshll.u32 s1, $0x11  }
0xbb: {  	s0 =	sor.u32 s1, s0  }
0xbc: {  	s0 =	sadd.s32 $0x8F2B, s0  }
0xbd: {  	[sflag:s0] =	ssyncadd.remote.s32 $0x1  }
0xbe: {  	_ =	sfence.sel $0xFFFF  }
0xbf: {  	[dreg:$0x0] =	wrdreg $0xFFFFFFFF;
	(pc) =	sbr.abs _section_cstart, $3  }
0xc0: {  	[dreg:$0x1] =	wrdreg $0xFFFFFFFF  }
0xc1: {  	_ =	task.clear_ibuf [dreg:s6], $0x2FFFF;
	_ =	strace $0x9FFFFFFF  }
0xc2: {  	(tm) =	ssettm $0x7FFFFFFF  }
0xc3: {  	_ =	shalt  }
tec
execute0_lowered:
.L_overlay_start_1:
0x0: {  	(tag) =	ssettag $0x1  }
0x1: {  	s1 =	srdreg.scid;
	s6 =	rddreg [dreg:$0x0]  }
0x2: {  	s0 =	stileid.u32;
	s2 =	rddreg [dreg:$0x1];
	s3 =	simm.s32 $0x0  }
0x3: {  	s13 =	simm.s32 $0x80;
	s14 =	simm.s32 $0x20;
	s15 =	simm.s32 $0x10  }
0x4: {  	s16 =	simm.s32 $0x0;
	s5 =	sand.u32 $0x1, s1;
	s1 =	rddreg [dreg:$0x2]  }
0x5: {  	s26 =	sshll.u32 s0, $0x1;
	[smem:$0x7FF] =	sst s3;
	s7 =	smul.u32 $0x500, s0  }
0x6: {  	s10 =	smul.u32 $0xA00, s0;
	s31 =	sshll.u32 s0, $0x6;
	s4 =	sor.u32 s5, s26  }
0x7: {  	_ =	strace $0x80000047;
	s8 =	sshll.u32 s5, $0x7;
	s28 =	ssub.s32 $0x2, s5  }
0x8: {  	s5 =	sadd.s32 $0xBE00, s6;
	s4 =	smul.u32 $0x500, s4;
	s7 =	sor.u32 s8, s7  }
0x9: {  	s29 =	sshrl.u32 s28, $0x1;
	s30 =	sshrl.u32 s10, $0x2;
	s7 =	sshrl.u32 s7, $0x3  }
0xa: {  	s12 =	ssub.s32 s28, s29;
	s10 =	sadd.s32 s30, s2;
	s9 =	sadd.s32 s4, s6  }
0xb: {  	s4 =	sadd.s32 $0xBC00, s6;
	s11 =	sadd.s32 s7, s6;
	s6 =	sor.u32 $0x1C01, s31  }
0xc: {  	s10 =	sshrl.u32 s10, $0x3;
	s7 =	sadd.s32 $0x1C00, s9;
	s8 =	sadd.s32 $0xC000, s11  }
0xd: {  	s9 =	smax.u32 s12, $0x1;
	s11 =	simm.s32 $0x1;
	s12 =	simm.s32 $0x2800  }
.LBB2_1:
0xe: {  	[spmem:s10], [sflag:s6] =	dma.local [hbm:s5], $0x50  }
0xf: {  	_ =	swait.ge [sflag:s11], $0x50  }
0x10: {  	[sflag:s11] =	ssyncset.done $0x0  }
0x11: {  	[sflag:s11] =	ssyncadd.s32 $0xFFFFFFB0  }
0x12: {  	[tilespmem:s12], [sflag:$0x1] =	stream.linear.gather [hbm4b:s4+s3], $0x80, $0x38;
	[tilespmem:$0x2B00] =	vst v63  }
0x13: {  	_ =	swait.ge [sflag:s11], $0x80  }
0x14: {  	[sflag:s11] =	ssyncset.done $0x0  }
0x15: {  	[sflag:s11] =	ssyncadd.s32 $0xFFFFFF80  }
0x16: {  	[tilespmem:s3], [sflag:$0x1] =	stream.linear.gather [hbm4b:s7+s3], $0x2800, $0x38;
	[tilespmem:$0x2B00] =	vst v63  }
0x17: {  	_ =	swait.ge [sflag:s11], $0x2800  }
0x18: {  	[sflag:s11] =	ssyncset.done $0x0  }
0x19: {  	[sflag:s11] =	ssyncadd.s32 $0xFFFFD800  }
0x1a: {  	s17 =	simm.s32 $0x0;
	[bflag:$0x0] =	sbarrier.arrive $0xFFFF  }
0x1b: {  	[spmem:s2] =	stream.indirect.scatter.add.f32 [tilespmem:s12], [sflag:$0x1], $0x1, s17, s13, $0xb8;
	[tilespmem:$0x2B00] =	vst v63  }
0x1c: {  	_ =	swait.ge [sflag:s11], $0x80  }
0x1d: {  	s17 =	simm.s32 $0x200;
	[sflag:s11] =	ssyncset.done $0x0  }
.LBB2_2:
0x1e: {  	s18 =	sshra.s32 s17, $0x2;
	[sflag:s11] =	ssyncadd.s32 $0xFFFFFF80;
	p0 =	sne.s32 s17, $0x9E00  }
0x1f: {  	[spmem:s2] =	stream.indirect.scatter.add.f32 [tilespmem:s12], [sflag:$0x1], $0x1, s18, s13, $0xb8;
	[tilespmem:$0x2B00] =	vst v63  }
.Ltmp0:
0x20: {  	_ = 	snop;
	(pc) =	sbr.rel @p0 .LBB2_2-.Ltmp0, $4  }
0x21: {  	_ = 	snop  }
0x22: {  	s17 =	sadd.s32 $0x200, s17  }
0x23: {  	_ =	swait.ge [sflag:s11], $0x80  }
0x24: {  	[sflag:s11] =	ssyncset.done $0x0  }
0x25: {  	s16 =	sadd.s32 $0x1, s16  }
0x26: {  	[sflag:s11] =	ssyncadd.s32 $0xFFFFFF80;
	p0 =	sne.s32 s16, s9  }
.Ltmp1:
0x27: {  	[bflag:$0x0] =	sbarrier.arrive $0xFFFF;
	(pc) =	sbr.rel @p0 .LBB2_1-.Ltmp1, $4  }
0x28: {  	[hbm:s8@s14], [sflag:s6] =	dma.strided [spmem:s10@s15], $0x50, s11, $0x10   }
0x29: {  	_ =	swait.ge [sflag:s11], $0x50  }
0x2a: {  	[sflag:s11] =	ssyncset.done $0x0  }
0x2b: {  	[sflag:s11] =	ssyncadd.s32 $0xFFFFFFB0  }
0x2c: {  	_ =	sfence.sel $0x180000  }
0x2d: {  	[bflag:$0x0] =	sbarrier.arrive $0xFFFF  }
0x2e: {  	p0 =	sne.s32 s0, $0x0;
	_ =	strace $0x90000047  }
0x2f: {  	s0 =	sadd.s32 @!p0 $0x100000, s1;
	[bflag:$0x2] =	sbarrier.arrive $0xFFFF  }
0x30: {  	[sflag:s0] =	ssyncadd.tile.s32 @!p0 $0x1;
	_ =	shalt  }
.Lfunc_end2:
_tile_overlayer_lowered:
.L_overlay_start_2:
0x31: {  	(tag) =	ssettag $0x2  }
0x32: {  	s0 =	rddreg [dreg:$0x0];
	s2 =	stileid.u32  }
0x33: {  	s1 =	rddreg [dreg:$0x1];
	p0 =	sne.s32 s2, $0x0  }
0x34: {  	s3 =	rddreg [dreg:$0x2];
	[bflag:$0x3] =	sbarrier.arrive $0xFFFF;
	s2 =	simm.s32 @!p0 $0x1C01  }
0x35: {  	[timem:s3], [sflag:s2] =	dma.local @!p0 [hbm:s0], s1  }
0x36: {  	s0 =	simm.s32 @!p0 $0x1  }
0x37: {  	_ =	swait.ge @!p0 [sflag:s0], s1  }
0x38: {  	s1 =	ssub.s32 @!p0 $0x0, s1;
	[sflag:s0] =	ssyncset.done @!p0 $0x0  }
0x39: {  	[sflag:s0] =	ssyncadd.s32 @!p0 s1  }
0x3a: {  	[bflag:$0x3] =	sbarrier.arrive $0xFFFF  }
0x3b: {  	_ =	shalt  }

// kernel: kernel.9.cloned.1.call-start
scs
__scs_entry_jumppad:
0x0: {  	(pc) =	sbr.rel $0x88, $3  }
0x1: {  	(tag) =	ssettag $0x0;
	lr =	simm.s32 $0x1  }
0x2: {  	[smem:$0x3F9D] =	sst lr;
	_ =	strace $0xD0000000  }
0x3: {  	_ = 	snop  }
0x4: {  	_ = 	snop  }
0x5: {  	_ = 	snop  }
0x6: {  	_ = 	snop  }
0x7: {  	_ = 	snop  }
__scs_overlays_trampoline_lowered:
0x8: {  	[smem:$0x3FAC] =	sst s0  }
0x9: {  	[smem:$0x3FAD] =	sst s1  }
0xa: {  	[smem:$0x3FAE] =	sst s2  }
0xb: {  	[smem:$0x3FAF] =	sst s3  }
0xc: {  	[smem:$0x3FB0] =	sst s4  }
0xd: {  	[smem:$0x3FB1] =	sst s5  }
0xe: {  	[smem:$0x3FB2] =	sst s6  }
0xf: {  	[smem:$0x3FB3] =	sst s7  }
0x10: {  	[smem:$0x3FB4] =	sst s8  }
0x11: {  	[smem:$0x3FB5] =	sst s9;
	s0 =	simm.s32 @!p0 $0x0  }
0x12: {  	s1 =	sld [smem:$0x3F9B];
	s0 =	simm.s32 @p0 $0x1  }
0x13: {  	[smem:$0x3FB6] =	sst s0;
	s0 =	simm.s32 @!p1 $0x0  }
0x14: {  	s2 =	sld [smem:$0x3F9A];
	s0 =	simm.s32 @p1 $0x1  }
0x15: {  	[smem:$0x3FB7] =	sst s0;
	s0 =	simm.s32 @!p2 $0x0  }
0x16: {  	s3 =	sld [smem:$0x3FDB];
	s0 =	simm.s32 @p2 $0x1  }
0x17: {  	s4 =	simm.s32 $0x1BF5;
	[smem:$0x3FB9] =	sst s0  }
0x18: {  	s0 =	sld [smem:$0x3F9C];
	_ =	swait.ge [sflag:s4], $0x0  }
0x19: {  	s7 =	sld [smem:$0x3F9D]  }
0x1a: {  	s8 =	sadd.s32 $0xFFFFE003, lr  }
0x1b: {  	s9 =	sadd.s32 $0xFFFFFEF7, lr;
	s5 =	simm.s32 $0xFFFFFFFF;
	p2 =	slt.u32 s8, $0xFFFFF086  }
0x1c: {  	p1 =	slt.u32 s9, $0xF7A;
	s5 =	simm.s32 @!p2 $0x0  }
0x1d: {  	s5 =	simm.s32 @p1 $0x1;
	p0 =	seq.s32 s7, s2  }
0x1e: {  	s7 =	smul.u32 @!p0 $0xF7A, s2;
	p2 =	seq.s32 @!p0 s5, $0x0  }
0x1f: {  	s9 =	smul.u32 $0xF7A, s1;
	s8 =	simm.s32 @!p0 $0x1BF5;
	p2 =	por !p2, p0  }
0x20: {  	[sflag:s8] =	ssyncset.s32 @!p0 $0xFFFFF086;
	s6 =	sadd.s32 @!p0 s3, s7;
	s7 =	simm.s32 @!p0 $0x108  }
0x21: {  	s3 =	sadd.s32 s3, s9;
	s6 =	sadd.s32 @!p0 $0x88, s6;
	s7 =	simm.s32 @p2 $0x1082  }
0x22: {  	[simem:s7], [sflag:s8] =	dma.local @!p0 [hbm:s6], $0xF7A  }
0x23: {  	s9 =	sor.u32 $0xD0000000, s2;
	s6 =	simm.s32 $0x108;
	_ =	swait.ge @!p0 [sflag:s8], $0x0  }
0x24: {  	s3 =	sadd.s32 $0x88, s3;
	s6 =	simm.s32 @!p1 $0x1082;
	[sflag:s4] =	ssyncset.s32 $0xFFFFF086  }
0x25: {  	[simem:s6], [sflag:s4] =	dma.local [hbm:s3], $0xF7A  }
0x26: {  	[smem:$0x3F9D] =	sst s1;
	(tag) =	ssettag s2;
	_ =	strace s9  }
0x27: {  	s1 =	sld [smem:$0x3FAD]  }
0x28: {  	s2 =	sld [smem:$0x3FAE]  }
0x29: {  	s4 =	sld [smem:$0x3FB0]  }
0x2a: {  	p0 =	seq.s32 s5, $0x0;
	s5 =	sld [smem:$0x3FB1]  }
0x2b: {  	s6 =	sld [smem:$0x3FB2]  }
0x2c: {  	s7 =	sld [smem:$0x3FB3]  }
0x2d: {  	s3 =	simm.s32 $0x108;
	s8 =	sld [smem:$0x3FB4]  }
0x2e: {  	s3 =	simm.s32 @!p0 $0x1082;
	s9 =	sld [smem:$0x3FB5]  }
0x2f: {  	lr =	sadd.s32 s0, s3;
	s0 =	sld [smem:$0x3FAC]  }
0x30: {  	s3 =	sld [smem:$0x3FAF]  }
0x31: {  	[smem:$0x3FB8] =	sst s10  }
0x32: {  	s10 =	sld [smem:$0x3FB6];
	_ =	sdelay $0x3  }
0x33: {  	p0 =	seq.s32 s10, $0x1;
	s10 =	sld [smem:$0x3FB8];
	_ =	sdelay $0x3  }
0x34: {  	[smem:$0x3FB8] =	sst s10  }
0x35: {  	s10 =	sld [smem:$0x3FB7];
	_ =	sdelay $0x3  }
0x36: {  	p1 =	seq.s32 s10, $0x1;
	s10 =	sld [smem:$0x3FB8];
	_ =	sdelay $0x3  }
0x37: {  	[smem:$0x3FB8] =	sst s10  }
0x38: {  	s10 =	sld [smem:$0x3FB9]  }
0x39: {  	_ = 	snop;
	(pc) =	sbr.ind lr, $3  }
0x3a: {  	_ = 	snop  }
0x3b: {  	_ = 	snop  }
0x3c: {  	p2 =	seq.s32 s10, $0x1;
	s10 =	sld [smem:$0x3FB8]  }
0x3d: {  	_ =	shalt  }
0x3e: {  	_ =	shalt  }
0x3f: {  	_ =	shalt  }
0x40: {  	_ =	shalt  }
0x41: {  	_ =	shalt  }
0x42: {  	_ =	shalt  }
0x43: {  	_ =	shalt  }
0x44: {  	_ =	shalt  }
0x45: {  	_ =	shalt  }
0x46: {  	_ =	shalt  }
0x47: {  	_ =	shalt  }
0x48: {  	_ =	shalt  }
0x49: {  	_ =	shalt  }
0x4a: {  	_ =	shalt  }
0x4b: {  	_ =	shalt  }
0x4c: {  	_ =	shalt  }
0x4d: {  	_ =	shalt  }
0x4e: {  	_ =	shalt  }
0x4f: {  	_ =	shalt  }
0x50: {  	_ =	shalt  }
0x51: {  	_ =	shalt  }
0x52: {  	_ =	shalt  }
0x53: {  	_ =	shalt  }
0x54: {  	_ =	shalt  }
0x55: {  	_ =	shalt  }
0x56: {  	_ =	shalt  }
0x57: {  	_ =	shalt  }
0x58: {  	_ =	shalt  }
0x59: {  	_ =	shalt  }
0x5a: {  	_ =	shalt  }
0x5b: {  	_ =	shalt  }
0x5c: {  	_ =	shalt  }
0x5d: {  	_ =	shalt  }
0x5e: {  	_ =	shalt  }
0x5f: {  	_ =	shalt  }
0x60: {  	_ =	shalt  }
0x61: {  	_ =	shalt  }
0x62: {  	_ =	shalt  }
0x63: {  	_ =	shalt  }
0x64: {  	_ =	shalt  }
0x65: {  	_ =	shalt  }
0x66: {  	_ =	shalt  }
0x67: {  	_ =	shalt  }
0x68: {  	_ =	shalt  }
0x69: {  	_ =	shalt  }
0x6a: {  	_ =	shalt  }
0x6b: {  	_ =	shalt  }
0x6c: {  	_ =	shalt  }
0x6d: {  	_ =	shalt  }
0x6e: {  	_ =	shalt  }
0x6f: {  	_ =	shalt  }
0x70: {  	_ =	shalt  }
0x71: {  	_ =	shalt  }
0x72: {  	_ =	shalt  }
0x73: {  	_ =	shalt  }
0x74: {  	_ =	shalt  }
0x75: {  	_ =	shalt  }
0x76: {  	_ =	shalt  }
0x77: {  	_ =	shalt  }
0x78: {  	_ =	shalt  }
0x79: {  	_ =	shalt  }
0x7a: {  	_ =	shalt  }
0x7b: {  	_ =	shalt  }
0x7c: {  	_ =	shalt  }
0x7d: {  	_ =	shalt  }
0x7e: {  	_ =	shalt  }
0x7f: {  	_ =	shalt  }
0x80: {  	_ =	shalt  }
0x81: {  	_ =	shalt  }
0x82: {  	_ =	shalt  }
0x83: {  	_ =	shalt  }
0x84: {  	_ =	shalt  }
0x85: {  	_ =	shalt  }
0x86: {  	_ =	shalt  }
0x87: {  	_ =	shalt  }
.Lfunc_end0:
.L_simem_size_0:
called_computation.1_lowered:
.L_overlay_start_0:
0x88: {  	s2 =	sld [smem:$0x3FD9]  }
0x89: {  	s3 =	sld [smem:$0x3FFE];
	_ =	sdelay $0x1  }
0x8a: {  	s1 =	srdreg.scid  }
0x8b: {  	s0 =	sand.u32 $0x1, s1  }
0x8c: {  	s17 =	sshll.u32 s0, $0xA;
	s2 =	sadd.s32 s3, s2  }
0x8d: {  	s2 =	sadd.s32 s2, s17  }
0x8e: {  	[smem:$0x3FC4] =	sst s2  }
0x8f: {  	_ = 	snop  }
0x90: {  	s2 =	sld [smem:$0x3FD0];
	(tm) =	ssettm $0x1  }
0x91: {  	s18 =	sld [smem:$0x3FFB];
	_ =	sdelay $0x3  }
0x92: {  	_ =	strace s18  }
0x93: {  	s3 =	sld [smem:$0x3FFC];
	_ =	sdelay $0x3  }
0x94: {  	_ =	strace s3  }
0x95: {  	s3 =	sld [smem:$0x3FFD];
	_ =	sdelay $0x3  }
0x96: {  	_ =	strace s3  }
0x97: {  	_ =	strace $0x8FFFFFFF  }
0x98: {  	s19 =	sld [smem:$0x3FDB];
	_ =	sdelay $0x1  }
0x99: {  	s4 =	simm.s32 $_scs_section_size  }
0x9a: {  	s5 =	simm.s32 $_size__tile_overlayer_lowered;
	s6 =	simm.s32 $_tile_overlayer_lowered  }
0x9b: {  	s22 =	simm.s32 $0x1BFF;
	s21 =	sshll.u32 s6, $0x1;
	s3 =	sadd.s32 s4, s19  }
0x9c: {  	s7 =	simm.s32 $0x0;
	s20 =	sshll.u32 s5, $0x1;
	s5 =	sadd.s32 s21, s3  }
0x9d: {  	[timem:s7], [sflag:s22] =	dma.local [hbm:s5], s20  }
0x9e: {  	_ =	swait.ge [sflag:s22], s20  }
0x9f: {  	s4 =	ssub.s32 $0x0, s20;
	[sflag:s22] =	ssyncset.done $0x0  }
0xa0: {  	[sflag:s22] =	ssyncadd.s32 s4;
	_ =	sdelay $0x1  }
0xa1: {  	s23 =	simm.s32 $0x1B8B  }
0xa2: {  	_ =	swait.ge [sflag:s23], $0x1  }
0xa3: {  	[sflag:s23] =	ssyncset.done $0x0  }
0xa4: {  	s25 =	simm.s32 $0x1B8E;
	s24 =	sld [smem:$0x3FFE];
	[sflag:s23] =	ssyncadd.s32 $0xFFFFFFFF  }
0xa5: {  	s26 =	simm.s32 $execute0_lowered;
	[smem:$0x3FD2] =	sst s25  }
0xa6: {  	s5 =	sshll.u32 s26, $0x1;
	_ =	strace $0x80000049;
	[dreg:$0x1] =	wrdreg $0xFFFFFFFF  }
0xa7: {  	s28 =	simm.s32 $_size_execute0_lowered;
	s3 =	sadd.s32 s3, s5;
	[dreg:$0x0] =	wrdreg $0x0  }
0xa8: {  	s5 =	sshll.u32 s28, $0x1;
	[dreg:$0x2] =	wrdreg s3  }
0xa9: {  	[dreg:$0x3] =	wrdreg s5  }
0xaa: {  	[dreg:$0x4] =	wrdreg $0xC0  }
0xab: {  	_ =	task [dreg:s7], $0x5FFFF  }
0xac: {  	[dreg:$0x1] =	wrdreg $0xFFFFFFFF  }
0xad: {  	[dreg:$0x0] =	wrdreg $0x60  }
0xae: {  	[dreg:$0x2] =	wrdreg s24  }
0xaf: {  	[dreg:$0x3] =	wrdreg s2  }
0xb0: {  	[dreg:$0x4] =	wrdreg $0xA8000  }
0xb1: {  	[dreg:$0x5] =	wrdreg $0x9  }
0xb2: {  	_ =	task.clear_ibuf [dreg:s7], $0x6FFFF;
	_ =	strace $0x90000049  }
0xb3: {  	s29 =	simm.s32 $0x9;
	_ =	strace $0x8000004B  }
0xb4: {  	_ =	swait.ge [sflag:s29], $0x1  }
0xb5: {  	[sflag:s29] =	ssyncadd.s32 $0xFFFFFFFF  }
0xb6: {  	_ =	strace $0x9000004B  }
0xb7: {  	_ =	sfence  }
0xb8: {  	s30 =	sld [smem:$0x0];
	_ =	sdelay $0x2  }
0xb9: {  	s31 =	sshll.u32 s1, $0xD;
	s1 =	sshrl.u32 s1, $0x2  }
0xba: {  	s3 =	sand.u32 $0x4000, s31;
	s1 =	sadd.s32 s1, s30  }
0xbb: {  	s0 =	sor.u32 s3, s0;
	s1 =	sshll.u32 s1, $0x11  }
0xbc: {  	s0 =	sor.u32 s1, s0  }
0xbd: {  	s0 =	sadd.s32 $0x8F2B, s0  }
0xbe: {  	[sflag:s0] =	ssyncadd.remote.s32 $0x1  }
0xbf: {  	_ =	sfence.sel $0xFFFF  }
0xc0: {  	[dreg:$0x0] =	wrdreg $0xFFFFFFFF;
	(pc) =	sbr.abs _section_cstart, $3  }
0xc1: {  	[dreg:$0x1] =	wrdreg $0xFFFFFFFF  }
0xc2: {  	_ =	task.clear_ibuf [dreg:s7], $0x2FFFF;
	_ =	strace $0x9FFFFFFF  }
0xc3: {  	(tm) =	ssettm $0x7FFFFFFF  }
tec
execute0_lowered:
.L_overlay_start_1:
0x0: {  	(tag) =	ssettag $0x1  }
0x1: {  	s0 =	rddreg [dreg:$0x0]  }
0x2: {  	s2 =	rddreg [dreg:$0x1]  }
0x3: {  	s1 =	rddreg [dreg:$0x2]  }
0x4: {  	s3 =	simm.s32 $0x0;
	s4 =	srdreg.scid;
	s9 =	stileid.u32  }
0x5: {  	s28 =	simm.s32 $0x6800;
	s29 =	simm.s32 $0x3;
	s30 =	simm.s32 $0x4  }
0x6: {  	s31 =	simm.s32 $0x2700;
	[smem:$0x7FF] =	sst s3;
	s5 =	sand.u32 $0x1, s4  }
0x7: {  	s4 =	sadd.s32 $0xBC00, s0;
	s7 =	smul.u32 $0x50000, s9;
	s11 =	sadd.s32 $0x1C00, s0  }
0x8: {  	s14 =	smul.u32 $0x14000, s9;
	s10 =	sadd.s32 $0x33C00, s0;
	s0 =	sadd.s32 $0x34400, s0  }
0x9: {  	s18 =	sshll.u32 s9, $0x1;
	_ =	strace $0x8000004A;
	s6 =	ssub.s32 $0x2, s5  }
0xa: {  	[dreg:$0x4] =	wrdreg s10;
	s19 =	sor.u32 s5, s18;
	s5 =	smul.u32 $0x140000, s5  }
0xb: {  	s8 =	sshrl.u32 s6, $0x1;
	s7 =	sshrl.u32 s7, $0x2;
	s15 =	sadd.s32 $0x4000, s14  }
0xc: {  	s17 =	sadd.s32 $0x8000, s14;
	s18 =	sadd.s32 $0xC000, s14;
	s12 =	smul.u32 $0x2800, s19  }
0xd: {  	s19 =	sadd.s32 $0x10000, s14;
	s20 =	ssub.s32 s6, s8;
	s6 =	sadd.s32 s7, s1  }
0xe: {  	s7 =	sadd.s32 s15, s1;
	s8 =	sadd.s32 s17, s1;
	s9 =	sadd.s32 s18, s1  }
0xf: {  	s10 =	sadd.s32 s19, s1;
	s22 =	sadd.s32 s14, s5;
	s15 =	sadd.s32 s5, s15  }
0x10: {  	s24 =	sadd.s32 s5, s17;
	s25 =	sadd.s32 s5, s18;
	s5 =	sadd.s32 s5, s19  }
0x11: {  	s13 =	sshrl.u32 s12, $0x3;
	s23 =	sshrl.u32 s15, $0x3;
	s26 =	sshrl.u32 s25, $0x3  }
0x12: {  	s5 =	sshrl.u32 s5, $0x3;
	s20 =	smax.u32 s20, $0x1;
	s25 =	simm.s32 $0x2  }
0x13: {  	s12 =	sadd.s32 s2, s13;
	s21 =	sadd.s32 s11, s13;
	s16 =	sadd.s32 $0x280, s13  }
0x14: {  	s18 =	sadd.s32 s0, s26;
	s19 =	sadd.s32 s0, s5;
	[dreg:$0x5] =	wrdreg s12  }
0x15: {  	s26 =	simm.s32 $0x80;
	[dreg:$0x6] =	wrdreg s21;
	s13 =	sadd.s32 s2, s16  }
0x16: {  	s14 =	sadd.s32 s11, s16;
	s2 =	sshrl.u32 s22, $0x3;
	s16 =	sadd.s32 s0, s23  }
0x17: {  	s21 =	simm.s32 $0x2800;
	s22 =	simm.s32 $0x5;
	s23 =	simm.s32 $0x1400  }
0x18: {  	s15 =	sadd.s32 s0, s2;
	s2 =	sshrl.u32 s24, $0x3;
	s24 =	simm.s32 $0x1  }
0x19: {  	s17 =	sadd.s32 s0, s2;
	s0 =	simm.s32 $0x2780;
	s2 =	simm.s32 $0x0  }
.LBB2_1:
0x1a: {  	s5 =	rddreg [dreg:$0x4]  }
0x1b: {  	[tilespmem:s21], [sflag:$0x5] =	stream.linear.gather [hbm4b:s5+s3], $0x4000, $0x38;
	[tilespmem:$0x1E800] =	vst v63  }
0x1c: {  	_ =	swait.ge [sflag:s22], $0x4000  }
0x1d: {  	[sflag:s22] =	ssyncset.done $0x0  }
0x1e: {  	[sflag:s22] =	ssyncadd.s32 $0xFFFFC000  }
0x1f: {  	[spmem:s6] =	stream.linear.scatter [tilespmem:s21], [sflag:$0x5], $0x4000, $0x38;
	[tilespmem:$0x1E800] =	vst v63  }
0x20: {  	_ = 	snop  }
0x21: {  	[spmem:s7] =	stream.linear.scatter [tilespmem:s21], [sflag:$0x5], $0x4000, $0x38;
	[tilespmem:$0x1E800] =	vst v63  }
0x22: {  	_ = 	snop  }
0x23: {  	[spmem:s8] =	stream.linear.scatter [tilespmem:s21], [sflag:$0x5], $0x4000, $0x38;
	[tilespmem:$0x1E800] =	vst v63  }
0x24: {  	_ = 	snop  }
0x25: {  	[spmem:s9] =	stream.linear.scatter [tilespmem:s21], [sflag:$0x5], $0x4000, $0x38;
	[tilespmem:$0x1E800] =	vst v63  }
0x26: {  	_ = 	snop  }
0x27: {  	[spmem:s10] =	stream.linear.scatter [tilespmem:s21], [sflag:$0x5], $0x4000, $0x38;
	[tilespmem:$0x1E800] =	vst v63  }
0x28: {  	_ =	swait.ge [sflag:s22], $0x4000  }
0x29: {  	[sflag:s22] =	ssyncset.done $0x0  }
0x2a: {  	[sflag:s22] =	ssyncadd.s32 $0xFFFFC000  }
0x2b: {  	_ =	swait.ge [sflag:s22], $0x4000  }
0x2c: {  	[sflag:s22] =	ssyncset.done $0x0  }
0x2d: {  	[sflag:s22] =	ssyncadd.s32 $0xFFFFC000  }
0x2e: {  	_ =	swait.ge [sflag:s22], $0x4000  }
0x2f: {  	[sflag:s22] =	ssyncset.done $0x0  }
0x30: {  	[sflag:s22] =	ssyncadd.s32 $0xFFFFC000  }
0x31: {  	_ =	swait.ge [sflag:s22], $0x4000  }
0x32: {  	[sflag:s22] =	ssyncset.done $0x0  }
0x33: {  	[sflag:s22] =	ssyncadd.s32 $0xFFFFC000  }
0x34: {  	_ =	swait.ge [sflag:s22], $0x4000  }
0x35: {  	[sflag:s22] =	ssyncset.done $0x0  }
0x36: {  	[sflag:s22] =	ssyncadd.s32 $0xFFFFC000  }
0x37: {  	[bflag:$0x0] =	sbarrier.arrive $0xFFFF  }
0x38: {  	s12 =	rddreg [dreg:$0x5]  }
0x39: {  	[tilespmem:s3], [sflag:$0x1] =	stream.linear.gather [hbm4b:s12+s3], $0x1400, $0x38;
	[tilespmem:$0x1E800] =	vst v63  }
0x3a: {  	s11 =	rddreg [dreg:$0x6]  }
0x3b: {  	[tilespmem:s23], [sflag:$0x2] =	stream.linear.gather [hbm4b:s11+s3], $0x1400, $0x38;
	[tilespmem:$0x1E800] =	vst v63  }
0x3c: {  	_ =	swait.ge [sflag:s24], $0x1400  }
0x3d: {  	[sflag:s24] =	ssyncset.done $0x0  }
0x3e: {  	[sflag:s24] =	ssyncadd.s32 $0xFFFFEC00  }
0x3f: {  	_ =	swait.ge [sflag:s25], $0x1400  }
0x40: {  	[sflag:s25] =	ssyncset.done $0x0  }
0x41: {  	[sflag:s25] =	ssyncadd.s32 $0xFFFFEC00  }
0x42: {  	[tilespmem:s21], [sflag:$0x1] =	stream.indirect.gather [hbm4b:s4+s26], $0x80, s3, s26, $0xb8;
	[tilespmem:$0x1E800] =	vst v63  }
0x43: {  	_ = 	snop  }
0x44: {  	[tilespmem:s28], [sflag:$0x2] =	stream.indirect.gather [hbm4b:s4+s26], $0x80, s26, s26, $0xb8;
	[tilespmem:$0x1E800] =	vst v63  }
0x45: {  	_ =	swait.ge [sflag:s24], $0x4000  }
0x46: {  	[sflag:s24] =	ssyncset.done $0x0  }
0x47: {  	s12 =	simm.s32 $0x1400;
	[sflag:s24] =	ssyncadd.s32 $0xFFFFC000  }
0x48: {  	[spmem:s1] =	stream.indirect.scatter.add.f32 [tilespmem:s21], [sflag:$0x3], $0x80, s12, s26, $0xb8;
	[tilespmem:$0x1E800] =	vst v63  }
0x49: {  	_ =	swait.ge [sflag:s29], $0x4000  }
0x4a: {  	[sflag:s29] =	ssyncset.done $0x0  }
0x4b: {  	s11 =	simm.s32 $0x100;
	[sflag:s29] =	ssyncadd.s32 $0xFFFFC000  }
0x4c: {  	[tilespmem:s21], [sflag:$0x1] =	stream.indirect.gather [hbm4b:s4+s26], $0x80, s11, s26, $0xb8;
	[tilespmem:$0x1E800] =	vst v63  }
0x4d: {  	_ =	swait.ge [sflag:s25], $0x4000  }
0x4e: {  	[sflag:s25] =	ssyncset.done $0x0  }
0x4f: {  	s12 =	simm.s32 $0x1480;
	[sflag:s25] =	ssyncadd.s32 $0xFFFFC000  }
0x50: {  	[spmem:s1] =	stream.indirect.scatter.add.f32 [tilespmem:s28], [sflag:$0x4], $0x80, s12, s26, $0xb8;
	[tilespmem:$0x1E800] =	vst v63  }
0x51: {  	_ =	swait.ge [sflag:s30], $0x4000  }
0x52: {  	[sflag:s30] =	ssyncset.done $0x0  }
0x53: {  	s5 =	simm.s32 $0x400;
	s11 =	simm.s32 $0x180;
	[sflag:s30] =	ssyncadd.s32 $0xFFFFC000  }
.LBB2_2:
0x54: {  	[tilespmem:s28], [sflag:$0x2] =	stream.indirect.gather [hbm4b:s4+s26], $0x80, s11, s26, $0xb8;
	[tilespmem:$0x1E800] =	vst v63  }
0x55: {  	s11 =	smov.u32 s5  }
0x56: {  	p0 =	sne.s32 s5, $0x4800;
	s5 =	sadd.s32 $0x400, s5;
	_ =	swait.ge [sflag:s24], $0x4000  }
0x57: {  	s11 =	sshra.s32 s11, $0x2;
	[sflag:s24] =	ssyncset.done $0x0  }
0x58: {  	s12 =	sadd.s32 $0x1400, s11;
	[sflag:s24] =	ssyncadd.s32 $0xFFFFC000  }
0x59: {  	[spmem:s1] =	stream.indirect.scatter.add.f32 [tilespmem:s21], [sflag:$0x3], $0x80, s12, s26, $0xb8;
	[tilespmem:$0x1E800] =	vst v63  }
0x5a: {  	_ =	swait.ge [sflag:s29], $0x4000  }
0x5b: {  	[sflag:s29] =	ssyncset.done $0x0  }
0x5c: {  	s12 =	sadd.s32 $0x100, s11;
	[sflag:s29] =	ssyncadd.s32 $0xFFFFC000  }
0x5d: {  	[tilespmem:s21], [sflag:$0x1] =	stream.indirect.gather [hbm4b:s4+s26], $0x80, s12, s26, $0xb8;
	[tilespmem:$0x1E800] =	vst v63  }
0x5e: {  	_ =	swait.ge [sflag:s25], $0x4000  }
0x5f: {  	[sflag:s25] =	ssyncset.done $0x0  }
.Ltmp0:
0x60: {  	s12 =	sadd.s32 $0x1480, s11;
	[sflag:s25] =	ssyncadd.s32 $0xFFFFC000;
	(pc) =	sbr.rel @p0 .LBB2_2-.Ltmp0, $4  }
0x61: {  	[spmem:s1] =	stream.indirect.scatter.add.f32 [tilespmem:s28], [sflag:$0x4], $0x80, s12, s26, $0xb8;
	[tilespmem:$0x1E800] =	vst v63  }
0x62: {  	_ =	swait.ge [sflag:s30], $0x4000  }
0x63: {  	[sflag:s30] =	ssyncset.done $0x0  }
0x64: {  	s11 =	sadd.s32 $0x180, s11;
	[sflag:s30] =	ssyncadd.s32 $0xFFFFC000  }
0x65: {  	[tilespmem:s28], [sflag:$0x2] =	stream.indirect.gather [hbm4b:s4+s26], $0x80, s11, s26, $0xb8;
	[tilespmem:$0x1E800] =	vst v63  }
0x66: {  	_ =	swait.ge [sflag:s24], $0x4000  }
0x67: {  	[sflag:s24] =	ssyncset.done $0x0  }
0x68: {  	[sflag:s24] =	ssyncadd.s32 $0xFFFFC000  }
0x69: {  	[spmem:s1] =	stream.indirect.scatter.add.f32 [tilespmem:s21], [sflag:$0x3], $0x80, s31, s26, $0xb8;
	[tilespmem:$0x1E800] =	vst v63  }
0x6a: {  	_ =	swait.ge [sflag:s25], $0x4000  }
0x6b: {  	[sflag:s25] =	ssyncset.done $0x0  }
0x6c: {  	[sflag:s25] =	ssyncadd.s32 $0xFFFFC000  }
0x6d: {  	[spmem:s1] =	stream.indirect.scatter.add.f32 [tilespmem:s28], [sflag:$0x4], $0x80, s0, s26, $0xb8;
	[tilespmem:$0x1E800] =	vst v63  }
0x6e: {  	_ =	swait.ge [sflag:s29], $0x4000  }
0x6f: {  	[sflag:s29] =	ssyncset.done $0x0  }
0x70: {  	[sflag:s29] =	ssyncadd.s32 $0xFFFFC000  }
0x71: {  	_ =	swait.ge [sflag:s30], $0x4000  }
0x72: {  	[sflag:s30] =	ssyncset.done $0x0  }
0x73: {  	s5 =	simm.s32 $0x0;
	[sflag:s30] =	ssyncadd.s32 $0xFFFFC000  }
0x74: {  	[tilespmem:s5], [sflag:$0x1] =	stream.linear.gather [hbm4b:s13+s5], $0x1400, $0x38;
	[tilespmem:$0x1E800] =	vst v63  }
0x75: {  	_ = 	snop  }
0x76: {  	[tilespmem:s23], [sflag:$0x2] =	stream.linear.gather [hbm4b:s14+s5], $0x1400, $0x38;
	[tilespmem:$0x1E800] =	vst v63  }
0x77: {  	_ =	swait.ge [sflag:s24], $0x1400  }
0x78: {  	[sflag:s24] =	ssyncset.done $0x0  }
0x79: {  	[sflag:s24] =	ssyncadd.s32 $0xFFFFEC00  }
0x7a: {  	_ =	swait.ge [sflag:s25], $0x1400  }
0x7b: {  	[sflag:s25] =	ssyncset.done $0x0  }
0x7c: {  	[sflag:s25] =	ssyncadd.s32 $0xFFFFEC00  }
0x7d: {  	[tilespmem:s21], [sflag:$0x1] =	stream.indirect.gather [hbm4b:s4+s26], $0x80, s5, s26, $0xb8;
	[tilespmem:$0x1E800] =	vst v63  }
0x7e: {  	_ = 	snop  }
0x7f: {  	[tilespmem:s28], [sflag:$0x2] =	stream.indirect.gather [hbm4b:s4+s26], $0x80, s26, s26, $0xb8;
	[tilespmem:$0x1E800] =	vst v63  }
0x80: {  	_ =	swait.ge [sflag:s24], $0x4000  }
0x81: {  	[sflag:s24] =	ssyncset.done $0x0  }
0x82: {  	s12 =	simm.s32 $0x1400;
	[sflag:s24] =	ssyncadd.s32 $0xFFFFC000  }
0x83: {  	[spmem:s1] =	stream.indirect.scatter.add.f32 [tilespmem:s21], [sflag:$0x3], $0x80, s12, s26, $0xb8;
	[tilespmem:$0x1E800] =	vst v63  }
0x84: {  	_ =	swait.ge [sflag:s29], $0x4000  }
0x85: {  	[sflag:s29] =	ssyncset.done $0x0  }
0x86: {  	s11 =	simm.s32 $0x100;
	[sflag:s29] =	ssyncadd.s32 $0xFFFFC000  }
0x87: {  	[tilespmem:s21], [sflag:$0x1] =	stream.indirect.gather [hbm4b:s4+s26], $0x80, s11, s26, $0xb8;
	[tilespmem:$0x1E800] =	vst v63  }
0x88: {  	_ =	swait.ge [sflag:s25], $0x4000  }
0x89: {  	[sflag:s25] =	ssyncset.done $0x0  }
0x8a: {  	s12 =	simm.s32 $0x1480;
	[sflag:s25] =	ssyncadd.s32 $0xFFFFC000  }
0x8b: {  	[spmem:s1] =	stream.indirect.scatter.add.f32 [tilespmem:s28], [sflag:$0x4], $0x80, s12, s26, $0xb8;
	[tilespmem:$0x1E800] =	vst v63  }
0x8c: {  	_ =	swait.ge [sflag:s30], $0x4000  }
0x8d: {  	[sflag:s30] =	ssyncset.done $0x0  }
0x8e: {  	s5 =	simm.s32 $0x400;
	s11 =	simm.s32 $0x180;
	[sflag:s30] =	ssyncadd.s32 $0xFFFFC000  }
.LBB2_4:
0x8f: {  	[tilespmem:s28], [sflag:$0x2] =	stream.indirect.gather [hbm4b:s4+s26], $0x80, s11, s26, $0xb8;
	[tilespmem:$0x1E800] =	vst v63  }
0x90: {  	s11 =	smov.u32 s5  }
0x91: {  	p0 =	sne.s32 s5, $0x4800;
	s5 =	sadd.s32 $0x400, s5;
	_ =	swait.ge [sflag:s24], $0x4000  }
0x92: {  	s11 =	sshra.s32 s11, $0x2;
	[sflag:s24] =	ssyncset.done $0x0  }
0x93: {  	s12 =	sadd.s32 $0x1400, s11;
	[sflag:s24] =	ssyncadd.s32 $0xFFFFC000  }
0x94: {  	[spmem:s1] =	stream.indirect.scatter.add.f32 [tilespmem:s21], [sflag:$0x3], $0x80, s12, s26, $0xb8;
	[tilespmem:$0x1E800] =	vst v63  }
0x95: {  	_ =	swait.ge [sflag:s29], $0x4000  }
0x96: {  	[sflag:s29] =	ssyncset.done $0x0  }
0x97: {  	s12 =	sadd.s32 $0x100, s11;
	[sflag:s29] =	ssyncadd.s32 $0xFFFFC000  }
0x98: {  	[tilespmem:s21], [sflag:$0x1] =	stream.indirect.gather [hbm4b:s4+s26], $0x80, s12, s26, $0xb8;
	[tilespmem:$0x1E800] =	vst v63  }
0x99: {  	_ =	swait.ge [sflag:s25], $0x4000  }
0x9a: {  	[sflag:s25] =	ssyncset.done $0x0  }
.Ltmp1:
0x9b: {  	s12 =	sadd.s32 $0x1480, s11;
	[sflag:s25] =	ssyncadd.s32 $0xFFFFC000;
	(pc) =	sbr.rel @p0 .LBB2_4-.Ltmp1, $4  }
0x9c: {  	[spmem:s1] =	stream.indirect.scatter.add.f32 [tilespmem:s28], [sflag:$0x4], $0x80, s12, s26, $0xb8;
	[tilespmem:$0x1E800] =	vst v63  }
0x9d: {  	_ =	swait.ge [sflag:s30], $0x4000  }
0x9e: {  	[sflag:s30] =	ssyncset.done $0x0  }
0x9f: {  	s11 =	sadd.s32 $0x180, s11;
	[sflag:s30] =	ssyncadd.s32 $0xFFFFC000  }
0xa0: {  	[tilespmem:s28], [sflag:$0x2] =	stream.indirect.gather [hbm4b:s4+s26], $0x80, s11, s26, $0xb8;
	[tilespmem:$0x1E800] =	vst v63  }
0xa1: {  	_ =	swait.ge [sflag:s24], $0x4000  }
0xa2: {  	[sflag:s24] =	ssyncset.done $0x0  }
0xa3: {  	[sflag:s24] =	ssyncadd.s32 $0xFFFFC000  }
0xa4: {  	[spmem:s1] =	stream.indirect.scatter.add.f32 [tilespmem:s21], [sflag:$0x3], $0x80, s31, s26, $0xb8;
	[tilespmem:$0x1E800] =	vst v63  }
0xa5: {  	_ =	swait.ge [sflag:s25], $0x4000  }
0xa6: {  	[sflag:s25] =	ssyncset.done $0x0  }
0xa7: {  	[sflag:s25] =	ssyncadd.s32 $0xFFFFC000  }
0xa8: {  	[spmem:s1] =	stream.indirect.scatter.add.f32 [tilespmem:s28], [sflag:$0x4], $0x80, s0, s26, $0xb8;
	[tilespmem:$0x1E800] =	vst v63  }
0xa9: {  	_ =	swait.ge [sflag:s29], $0x4000  }
0xaa: {  	[sflag:s29] =	ssyncset.done $0x0  }
0xab: {  	[sflag:s29] =	ssyncadd.s32 $0xFFFFC000  }
0xac: {  	_ =	swait.ge [sflag:s30], $0x4000  }
0xad: {  	s5 =	stileid.u32;
	[sflag:s30] =	ssyncset.done $0x0  }
0xae: {  	s5 =	sshll.u32 s5, $0x6;
	[sflag:s30] =	ssyncadd.s32 $0xFFFFC000  }
0xaf: {  	s12 =	sshrl.u32 s6, $0x3;
	s5 =	sor.u32 $0x1C05, s5;
	[bflag:$0x0] =	sbarrier.arrive $0xFFFF  }
0xb0: {  	[hbm:s15], [sflag:s5] =	dma.local [spmem:s12], $0x800  }
0xb1: {  	s12 =	sshrl.u32 s7, $0x3  }
0xb2: {  	[hbm:s16], [sflag:s5] =	dma.local [spmem:s12], $0x800  }
0xb3: {  	s12 =	sshrl.u32 s8, $0x3  }
0xb4: {  	[hbm:s17], [sflag:s5] =	dma.local [spmem:s12], $0x800  }
0xb5: {  	s12 =	sshrl.u32 s9, $0x3  }
0xb6: {  	[hbm:s18], [sflag:s5] =	dma.local [spmem:s12], $0x800  }
0xb7: {  	s12 =	sshrl.u32 s10, $0x3  }
0xb8: {  	[hbm:s19], [sflag:s5] =	dma.local [spmem:s12], $0x800  }
0xb9: {  	_ =	swait.ge [sflag:s22], $0x800  }
0xba: {  	[sflag:s22] =	ssyncset.done $0x0  }
0xbb: {  	[sflag:s22] =	ssyncadd.s32 $0xFFFFF800  }
0xbc: {  	_ =	swait.ge [sflag:s22], $0x800  }
0xbd: {  	[sflag:s22] =	ssyncset.done $0x0  }
0xbe: {  	[sflag:s22] =	ssyncadd.s32 $0xFFFFF800  }
0xbf: {  	_ =	swait.ge [sflag:s22], $0x800  }
0xc0: {  	[sflag:s22] =	ssyncset.done $0x0  }
0xc1: {  	s2 =	sadd.s32 $0x1, s2;
	[sflag:s22] =	ssyncadd.s32 $0xFFFFF800  }
0xc2: {  	p0 =	sne.s32 s2, s20;
	_ =	swait.ge [sflag:s22], $0x800  }
.Ltmp2:
0xc3: {  	[sflag:s22] =	ssyncset.done $0x0;
	(pc) =	sbr.rel @p0 .LBB2_1-.Ltmp2, $4  }
0xc4: {  	[sflag:s22] =	ssyncadd.s32 $0xFFFFF800  }
0xc5: {  	_ =	swait.ge [sflag:s22], $0x800  }
0xc6: {  	[sflag:s22] =	ssyncset.done $0x0  }
0xc7: {  	[sflag:s22] =	ssyncadd.s32 $0xFFFFF800  }
0xc8: {  	_ =	sfence.sel $0x180000  }
0xc9: {  	[bflag:$0x0] =	sbarrier.arrive $0xFFFF  }
0xca: {  	_ =	strace $0x9000004A  }
0xcb: {  	s0 =	stileid.u32;
	[bflag:$0x2] =	sbarrier.arrive $0xFFFF  }
0xcc: {  	p0 =	sne.s32 s0, $0x0;
	s0 =	rddreg [dreg:$0x3]  }
0xcd: {  	s0 =	sadd.s32 @!p0 $0x100000, s0  }
0xce: {  	[sflag:s0] =	ssyncadd.tile.s32 @!p0 $0x1;
	_ =	shalt  }
.Lfunc_end2:
_tile_overlayer_lowered:
.L_overlay_start_2:
0xcf: {  	(tag) =	ssettag $0x2  }
0xd0: {  	s0 =	rddreg [dreg:$0x0];
	s2 =	stileid.u32  }
0xd1: {  	s1 =	rddreg [dreg:$0x1];
	p0 =	sne.s32 s2, $0x0  }
0xd2: {  	s3 =	rddreg [dreg:$0x2];
	[bflag:$0x3] =	sbarrier.arrive $0xFFFF;
	s2 =	simm.s32 @!p0 $0x1C06  }
0xd3: {  	[timem:s3], [sflag:s2] =	dma.local @!p0 [hbm:s0], s1  }
0xd4: {  	s0 =	simm.s32 @!p0 $0x6  }
0xd5: {  	_ =	swait.ge @!p0 [sflag:s0], s1  }
0xd6: {  	s1 =	ssub.s32 @!p0 $0x0, s1;
	[sflag:s0] =	ssyncset.done @!p0 $0x0  }
0xd7: {  	[sflag:s0] =	ssyncadd.s32 @!p0 s1  }
0xd8: {  	[bflag:$0x3] =	sbarrier.arrive $0xFFFF  }
0xd9: {  	_ =	shalt  }

</sc_bundles>
